<compile_context>
chip_gen: v7x
topology: tpu7x:2x2x1
jax: 0.10.2.dev20260603
libtpu: 0.0.44.dev20260713+nightly
codegen_flags: <defaults>
</compile_context>

<pallas_src>
import jax
import jax.numpy as jnp
from jax import lax
from jax.experimental import pallas as pl
from jax.experimental.pallas import tpu as pltpu
from jax.experimental.pallas import tpu_sc as plsc

_B = 16384
_D = 64
_NC = 2
_NS = 16
_NW = _NC * _NS
_BPW = _B // _NW
_PASS = 256


def _sc_dual_gather(item_table, text_table, item_ids):
    mesh = plsc.VectorSubcoreMesh(core_axis_name="c", subcore_axis_name="s")
    out_t = (
        jax.ShapeDtypeStruct((_B, _D), jnp.float32),
        jax.ShapeDtypeStruct((_B, _D), jnp.float32),
    )

    @pl.kernel(
        out_type=out_t,
        mesh=mesh,
        scratch_types=[
            pltpu.VMEM((_BPW,), jnp.int32),
            pltpu.VMEM((_PASS, _D), jnp.float32),
            pltpu.VMEM_SHARED((_NS, _PASS, _D), jnp.float32),
            pltpu.SemaphoreType.DMA,
            pltpu.SemaphoreType.DMA,
        ],
    )
    def k(item_hbm, text_hbm, idx_hbm, oi_hbm, ot_hbm, idx_v,
          irows, tshared, sem, sem2):
        wid = lax.axis_index("s") * _NC + lax.axis_index("c")
        sid = lax.axis_index("s")
        base = wid * _BPW
        trows = tshared.at[sid]
        pltpu.sync_copy(idx_hbm.at[pl.ds(base, _BPW)], idx_v)
        for p in range(_BPW // _PASS):
            @plsc.parallel_loop(0, _PASS, step=16)
            def _(j):
                v = idx_v[pl.ds(p * _PASS + j, 16)]
                for q in range(16):
                    r = v[q]
                    pltpu.async_copy(item_hbm.at[pl.ds(r, 1)],
                                     irows.at[pl.ds(j + q, 1)], sem)
                    pltpu.async_copy(text_hbm.at[pl.ds(r, 1)],
                                     trows.at[pl.ds(j + q, 1)], sem2)
            pltpu.make_async_copy(item_hbm.at[pl.ds(0, _PASS)], irows, sem).wait()
            pltpu.make_async_copy(text_hbm.at[pl.ds(0, _PASS)], trows, sem2).wait()
            pltpu.sync_copy(irows, oi_hbm.at[pl.ds(base + p * _PASS, _PASS)])
            pltpu.sync_copy(trows, ot_hbm.at[pl.ds(base + p * _PASS, _PASS)])

    return k(item_table, text_table, item_ids)


def _mlp_body(item_ref, text_ref, w1_ref, b1_ref, w2_ref, b2_ref, out_ref):
    item = item_ref[...]
    text = text_ref[...]
    w1 = w1_ref[...]
    cdims = (((1,), (1,)), ((), ()))
    h = lax.dot_general(item, w1[:, :_D], cdims,
                        preferred_element_type=jnp.float32)
    h = h + lax.dot_general(text, w1[:, _D:], cdims,
                            preferred_element_type=jnp.float32)
    h = jnp.maximum(h + b1_ref[...], 0.0)
    w2 = w2_ref[...]
    logits = lax.dot_general(h, w2, cdims, preferred_element_type=jnp.float32)
    b2v = b2_ref[...]
    d = (logits[:, 0:1] - logits[:, 1:2]) + (b2v[0, 0] - b2v[0, 1])
    g0 = 1.0 / (1.0 + jnp.exp(-d))
    out_ref[...] = text + g0 * (item - text)


def _tc_gating(item_emb, text_emb, W1, b1, W2, b2, blk=4096):
    grid = (_B // blk,)
    return pl.pallas_call(
        _mlp_body,
        out_shape=jax.ShapeDtypeStruct((_B, _D), jnp.float32),
        grid=grid,
        in_specs=[
            pl.BlockSpec((blk, _D), lambda i: (i, 0)),
            pl.BlockSpec((blk, _D), lambda i: (i, 0)),
            pl.BlockSpec((128, 128), lambda i: (0, 0)),
            pl.BlockSpec((1, 128), lambda i: (0, 0)),
            pl.BlockSpec((2, 128), lambda i: (0, 0)),
            pl.BlockSpec((1, 2), lambda i: (0, 0)),
        ],
        out_specs=pl.BlockSpec((blk, _D), lambda i: (i, 0)),
    )(item_emb, text_emb, W1, b1, W2, b2)


def kernel(item_ids, item_table, text_table, W1, b1, W2, b2):
    item_emb, text_emb = _sc_dual_gather(
        item_table, text_table, item_ids.astype(jnp.int32))
    return _tc_gating(item_emb, text_emb, W1,
                      b1.reshape(1, 128), W2, b2.reshape(1, 2))

# --- scband reference (transcript-rebuilt; emitter-appended) ---
"""Pipeline reference for scband-domain-gating-embedding-module-8529805049917 (READ-ONLY COPY).

The authoritative reference and input builder live on the scoring server;
editing this copy changes nothing except your own understanding.
"""

import jax, jax.numpy as jnp
import numpy as np

NUM_ITEMS = 1000000
D_ITEM = 64
D_TEXT = 64
BATCH = 16384
HIDDEN = 128

def setup_inputs(seed: int = 0) -> dict:
    key = jax.random.key(seed)
    k_ids, k_item, k_text, k_w1, k_b1, k_w2, k_b2 = jax.random.split(key, 7)
    item_ids = jax.random.randint(k_ids, (BATCH,), 0, NUM_ITEMS + 1, dtype=jnp.int64) if jax.config.jax_enable_x64 else jax.random.randint(k_ids, (BATCH,), 0, NUM_ITEMS + 1, dtype=jnp.int32)
    # embedding tables (row 0 is padding_idx, zeroed)
    item_table = jax.random.normal(k_item, (NUM_ITEMS + 1, D_ITEM), dtype=jnp.float32) * 0.02
    item_table = item_table.at[0].set(0.0)
    text_table = jax.random.normal(k_text, (NUM_ITEMS + 1, D_TEXT), dtype=jnp.float32) * 0.02
    text_table = text_table.at[0].set(0.0)
    # gating network: Linear(D_ITEM + D_TEXT, 128) -> ReLU -> Linear(128, 2) -> Softmax
    fan_in1 = D_ITEM + D_TEXT
    lim1 = 1.0 / np.sqrt(fan_in1)
    W1 = jax.random.uniform(k_w1, (HIDDEN, fan_in1), dtype=jnp.float32, minval=-lim1, maxval=lim1)
    b1 = jax.random.uniform(k_b1, (HIDDEN,), dtype=jnp.float32, minval=-lim1, maxval=lim1)
    lim2 = 1.0 / np.sqrt(HIDDEN)
    W2 = jax.random.uniform(k_w2, (2, HIDDEN), dtype=jnp.float32, minval=-lim2, maxval=lim2)
    b2 = jax.random.uniform(k_b2, (2,), dtype=jnp.float32, minval=-lim2, maxval=lim2)
    return {"item_ids": item_ids, "item_table": item_table, "text_table": text_table, "W1": W1, "b1": b1, "W2": W2, "b2": b2}


def reference(item_ids, item_table, text_table, W1, b1, W2, b2):
    # embedding lookups (gather)
    item_embeddings = jnp.take(item_table, item_ids, axis=0)   # [B, D_ITEM]
    text_embeddings = jnp.take(text_table, item_ids, axis=0)   # [B, D_TEXT]
    concatenated = jnp.concatenate([item_embeddings, text_embeddings], axis=-1)  # [B, D_ITEM+D_TEXT]
    # gating network
    h = jnp.maximum(concatenated @ W1.T + b1, 0.0)
    logits = h @ W2.T + b2                                     # [B, 2]
    gating_weights = jax.nn.softmax(logits, axis=-1)
    weighted_item_emb = gating_weights[:, 0:1] * item_embeddings
    weighted_text_emb = gating_weights[:, 1:2] * text_embeddings
    return weighted_item_emb + weighted_text_emb

if __name__ == "__main__":
    import jax
    _d = setup_inputs()
    print(jax.jit(kernel)(*tuple(_d.values())))

</pallas_src>

<mosaic_0001>
#map = affine_map<(d0, d1) -> (0, 0)>
#map1 = affine_map<(d0, d1) -> (0)>
module attributes {stable_mosaic.version = 14 : i64} {
  func.func @k(%arg0: i32, %arg1: i32, %arg2: memref<1000001x64xf32, #tpu.memory_space<hbm>>, %arg3: memref<1000001x64xf32, #tpu.memory_space<hbm>>, %arg4: memref<16384xi32, #tpu.memory_space<hbm>>, %arg5: memref<16384x64xf32, #tpu.memory_space<hbm>>, %arg6: memref<16384x64xf32, #tpu.memory_space<hbm>>, %arg7: memref<512xi32, #tpu.memory_space<vmem>>, %arg8: memref<256x64xf32, #tpu.memory_space<vmem>>, %arg9: memref<16x256x64xf32, #tpu.memory_space<vmem_shared>>, %arg10: memref<!tpu.dma_semaphore, #tpu.memory_space<semaphore_mem>>, %arg11: memref<!tpu.dma_semaphore, #tpu.memory_space<semaphore_mem>>) attributes {dimension_semantics = [#tpu.dimension_semantics<core_parallel>, #tpu.dimension_semantics<subcore_parallel>], iteration_bounds = array<i64: 2, 16>, scalar_prefetch = 0 : i64, scratch_operands = 5 : i64, tpu.core_type = #tpu.core_type<sc_vector_subcore>, window_params = [{transform_indices = #map}, {transform_indices = #map}, {transform_indices = #map1}, {transform_indices = #map}, {transform_indices = #map}]} {
    %mul3A = arith.constant 2 : i32
    %mul3A_0 = arith.muli %arg1, %mul3A : i32
    %add3A = arith.addi %mul3A_0, %arg0 : i32
    %mul3A_1 = arith.constant 512 : i32
    %mul3A_2 = arith.muli %add3A, %mul3A_1 : i32
    "tpu.region"() ({
      %run_scoped3A = tpu.sem_alloc : memref<!tpu.dma_semaphore, #tpu.memory_space<semaphore_mem>>
      %dma_start3A = tpu.memref_slice %arg4[%mul3A_2] : memref<16384xi32, #tpu.memory_space<hbm>> -> memref<512xi32, #tpu.memory_space<hbm>>
      %dma_start3A_41 = tpu.memref_slice %arg4[%mul3A_2] : memref<16384xi32, #tpu.memory_space<hbm>> -> memref<512xi32, #tpu.memory_space<hbm>>
      tpu.enqueue_dma source(%dma_start3A_41 : memref<512xi32, #tpu.memory_space<hbm>>) target(%arg7 : memref<512xi32, #tpu.memory_space<vmem>>) target_semaphore(%run_scoped3A : memref<!tpu.dma_semaphore, #tpu.memory_space<semaphore_mem>>)
      %dma_wait3A_42 = tpu.memref_slice %arg4[%mul3A_2] : memref<16384xi32, #tpu.memory_space<hbm>> -> memref<512xi32, #tpu.memory_space<hbm>>
      %dma_wait3A_43 = tpu.memref_slice %arg4[%mul3A_2] : memref<16384xi32, #tpu.memory_space<hbm>> -> memref<512xi32, #tpu.memory_space<hbm>>
      tpu.wait_dma2 semaphore(%run_scoped3A : memref<!tpu.dma_semaphore, #tpu.memory_space<semaphore_mem>>) src(%dma_wait3A_43 : memref<512xi32, #tpu.memory_space<hbm>>) dst(%arg7 : memref<512xi32, #tpu.memory_space<vmem>>)
      tpu.yield
    }) : () -> ()
    %parallel_loop3A = arith.constant 0 : i32
    %parallel_loop3A_3 = arith.constant 256 : i32
    %parallel_loop3A_4 = arith.constant 16 : i32
    scf.for %parallel_loop3A_41 = %parallel_loop3A to %parallel_loop3A_3 step %parallel_loop3A_4  : i32 {
      %parallel_loop3A_42 = arith.constant 0 : i32
      %parallel_loop3A_43 = arith.addi %parallel_loop3A_42, %parallel_loop3A_41 : i32
      %parallel_loop3A_44 = arith.index_cast %parallel_loop3A_43 : i32 to index
      %parallel_loop3A_45 = tpu.vector_load %arg7[%parallel_loop3A_44] {strides = array<i32>} : memref<512xi32, #tpu.memory_space<vmem>>, vector<16xi32>,
      %parallel_loop3A_46 = vector.shape_cast %parallel_loop3A_45 : vector<16xi32> to vector<16xi32>
      %parallel_loop3A_47 = vector.extract_strided_slice %parallel_loop3A_46 {offsets = [0], sizes = [1], strides = [1]} : vector<16xi32> to vector<1xi32>
      %parallel_loop3A_48 = vector.extract %parallel_loop3A_47[0] : i32 from vector<1xi32>
      %parallel_loop3A_49 = arith.constant 0 : i32
      %parallel_loop3A_50 = arith.addi %parallel_loop3A_41, %parallel_loop3A_49 : i32
      %parallel_loop3A_51 = arith.constant 0 : i32
      %parallel_loop3A_52 = tpu.memref_slice %arg8[%parallel_loop3A_50, %parallel_loop3A_51] : memref<256x64xf32, #tpu.memory_space<vmem>> -> memref<1x64xf32, #tpu.memory_space<vmem>>
      %parallel_loop3A_53 = arith.constant 0 : i32
      %parallel_loop3A_54 = tpu.memref_slice %arg2[%parallel_loop3A_48, %parallel_loop3A_53] : memref<1000001x64xf32, #tpu.memory_space<hbm>> -> memref<1x64xf32, #tpu.memory_space<hbm>>
      %parallel_loop3A_55 = arith.constant 0 : i32
      %parallel_loop3A_56 = tpu.memref_slice %arg8[%parallel_loop3A_50, %parallel_loop3A_55] : memref<256x64xf32, #tpu.memory_space<vmem>> -> memref<1x64xf32, #tpu.memory_space<vmem>>
      %parallel_loop3A_57 = arith.constant 0 : i32
      %parallel_loop3A_58 = tpu.memref_slice %arg2[%parallel_loop3A_48, %parallel_loop3A_57] : memref<1000001x64xf32, #tpu.memory_space<hbm>> -> memref<1x64xf32, #tpu.memory_space<hbm>>
      tpu.enqueue_dma source(%parallel_loop3A_58 : memref<1x64xf32, #tpu.memory_space<hbm>>) target(%parallel_loop3A_56 : memref<1x64xf32, #tpu.memory_space<vmem>>) target_semaphore(%arg10 : memref<!tpu.dma_semaphore, #tpu.memory_space<semaphore_mem>>)
      %parallel_loop3A_59 = arith.constant 0 : i32
      %parallel_loop3A_60 = arith.addi %parallel_loop3A_41, %parallel_loop3A_59 : i32
      %parallel_loop3A_61 = arith.constant 0 : i32
      %parallel_loop3A_62 = arith.constant 0 : i32
      %parallel_loop3A_63 = tpu.memref_slice %arg9[%arg1, %parallel_loop3A_61, %parallel_loop3A_62] : memref<16x256x64xf32, #tpu.memory_space<vmem_shared>> -> memref<1x256x64xf32, #tpu.memory_space<vmem_shared>>
      %parallel_loop3A_64 = tpu.memref_squeeze %parallel_loop3A_63 : memref<1x256x64xf32, #tpu.memory_space<vmem_shared>> -> memref<256x64xf32, #tpu.memory_space<vmem_shared>>
      %parallel_loop3A_65 = arith.constant 0 : i32
      %parallel_loop3A_66 = tpu.memref_slice %parallel_loop3A_64[%parallel_loop3A_60, %parallel_loop3A_65] : memref<256x64xf32, #tpu.memory_space<vmem_shared>> -> memref<1x64xf32, #tpu.memory_space<vmem_shared>>
      %parallel_loop3A_67 = arith.constant 0 : i32
      %parallel_loop3A_68 = tpu.memref_slice %arg3[%parallel_loop3A_48, %parallel_loop3A_67] : memref<1000001x64xf32, #tpu.memory_space<hbm>> -> memref<1x64xf32, #tpu.memory_space<hbm>>
      tpu.enqueue_dma source(%parallel_loop3A_68 : memref<1x64xf32, #tpu.memory_space<hbm>>) target(%parallel_loop3A_66 : memref<1x64xf32, #tpu.memory_space<vmem_shared>>) target_semaphore(%arg11 : memref<!tpu.dma_semaphore, #tpu.memory_space<semaphore_mem>>)
      %parallel_loop3A_69 = vector.extract_strided_slice %parallel_loop3A_46 {offsets = [1], sizes = [1], strides = [1]} : vector<16xi32> to vector<1xi32>
      %parallel_loop3A_70 = vector.extract %parallel_loop3A_69[0] : i32 from vector<1xi32>
      %parallel_loop3A_71 = arith.constant 1 : i32
      %parallel_loop3A_72 = arith.addi %parallel_loop3A_41, %parallel_loop3A_71 : i32
      %parallel_loop3A_73 = arith.constant 0 : i32
      %parallel_loop3A_74 = tpu.memref_slice %arg8[%parallel_loop3A_72, %parallel_loop3A_73] : memref<256x64xf32, #tpu.memory_space<vmem>> -> memref<1x64xf32, #tpu.memory_space<vmem>>
      %parallel_loop3A_75 = arith.constant 0 : i32
      %parallel_loop3A_76 = tpu.memref_slice %arg2[%parallel_loop3A_70, %parallel_loop3A_75] : memref<1000001x64xf32, #tpu.memory_space<hbm>> -> memref<1x64xf32, #tpu.memory_space<hbm>>
      %parallel_loop3A_77 = arith.constant 0 : i32
      %parallel_loop3A_78 = tpu.memref_slice %arg8[%parallel_loop3A_72, %parallel_loop3A_77] : memref<256x64xf32, #tpu.memory_space<vmem>> -> memref<1x64xf32, #tpu.memory_space<vmem>>
      %parallel_loop3A_79 = arith.constant 0 : i32
      %parallel_loop3A_80 = tpu.memref_slice %arg2[%parallel_loop3A_70, %parallel_loop3A_79] : memref<1000001x64xf32, #tpu.memory_space<hbm>> -> memref<1x64xf32, #tpu.memory_space<hbm>>
      tpu.enqueue_dma source(%parallel_loop3A_80 : memref<1x64xf32, #tpu.memory_space<hbm>>) target(%parallel_loop3A_78 : memref<1x64xf32, #tpu.memory_space<vmem>>) target_semaphore(%arg10 : memref<!tpu.dma_semaphore, #tpu.memory_space<semaphore_mem>>)
      %parallel_loop3A_81 = arith.constant 1 : i32
      %parallel_loop3A_82 = arith.addi %parallel_loop3A_41, %parallel_loop3A_81 : i32
      %parallel_loop3A_83 = arith.constant 0 : i32
      %parallel_loop3A_84 = arith.constant 0 : i32
      %parallel_loop3A_85 = tpu.memref_slice %arg9[%arg1, %parallel_loop3A_83, %parallel_loop3A_84] : memref<16x256x64xf32, #tpu.memory_space<vmem_shared>> -> memref<1x256x64xf32, #tpu.memory_space<vmem_shared>>
      %parallel_loop3A_86 = tpu.memref_squeeze %parallel_loop3A_85 : memref<1x256x64xf32, #tpu.memory_space<vmem_shared>> -> memref<256x64xf32, #tpu.memory_space<vmem_shared>>
      %parallel_loop3A_87 = arith.constant 0 : i32
      %parallel_loop3A_88 = tpu.memref_slice %parallel_loop3A_86[%parallel_loop3A_82, %parallel_loop3A_87] : memref<256x64xf32, #tpu.memory_space<vmem_shared>> -> memref<1x64xf32, #tpu.memory_space<vmem_shared>>
      %parallel_loop3A_89 = arith.constant 0 : i32
      %parallel_loop3A_90 = tpu.memref_slice %arg3[%parallel_loop3A_70, %parallel_loop3A_89] : memref<1000001x64xf32, #tpu.memory_space<hbm>> -> memref<1x64xf32, #tpu.memory_space<hbm>>
      tpu.enqueue_dma source(%parallel_loop3A_90 : memref<1x64xf32, #tpu.memory_space<hbm>>) target(%parallel_loop3A_88 : memref<1x64xf32, #tpu.memory_space<vmem_shared>>) target_semaphore(%arg11 : memref<!tpu.dma_semaphore, #tpu.memory_space<semaphore_mem>>)
      %parallel_loop3A_91 = vector.extract_strided_slice %parallel_loop3A_46 {offsets = [2], sizes = [1], strides = [1]} : vector<16xi32> to vector<1xi32>
      %parallel_loop3A_92 = vector.extract %parallel_loop3A_91[0] : i32 from vector<1xi32>
      %parallel_loop3A_93 = arith.constant 2 : i32
      %parallel_loop3A_94 = arith.addi %parallel_loop3A_41, %parallel_loop3A_93 : i32
      %parallel_loop3A_95 = arith.constant 0 : i32
      %parallel_loop3A_96 = tpu.memref_slice %arg8[%parallel_loop3A_94, %parallel_loop3A_95] : memref<256x64xf32, #tpu.memory_space<vmem>> -> memref<1x64xf32, #tpu.memory_space<vmem>>
      %parallel_loop3A_97 = arith.constant 0 : i32
      %parallel_loop3A_98 = tpu.memref_slice %arg2[%parallel_loop3A_92, %parallel_loop3A_97] : memref<1000001x64xf32, #tpu.memory_space<hbm>> -> memref<1x64xf32, #tpu.memory_space<hbm>>
      %parallel_loop3A_99 = arith.constant 0 : i32
      %parallel_loop3A_100 = tpu.memref_slice %arg8[%parallel_loop3A_94, %parallel_loop3A_99] : memref<256x64xf32, #tpu.memory_space<vmem>> -> memref<1x64xf32, #tpu.memory_space<vmem>>
      %parallel_loop3A_101 = arith.constant 0 : i32
      %parallel_loop3A_102 = tpu.memref_slice %arg2[%parallel_loop3A_92, %parallel_loop3A_101] : memref<1000001x64xf32, #tpu.memory_space<hbm>> -> memref<1x64xf32, #tpu.memory_space<hbm>>
      tpu.enqueue_dma source(%parallel_loop3A_102 : memref<1x64xf32, #tpu.memory_space<hbm>>) target(%parallel_loop3A_100 : memref<1x64xf32, #tpu.memory_space<vmem>>) target_semaphore(%arg10 : memref<!tpu.dma_semaphore, #tpu.memory_space<semaphore_mem>>)
      %parallel_loop3A_103 = arith.constant 2 : i32
      %parallel_loop3A_104 = arith.addi %parallel_loop3A_41, %parallel_loop3A_103 : i32
      %parallel_loop3A_105 = arith.constant 0 : i32
      %parallel_loop3A_106 = arith.constant 0 : i32
      %parallel_loop3A_107 = tpu.memref_slice %arg9[%arg1, %parallel_loop3A_105, %parallel_loop3A_106] : memref<16x256x64xf32, #tpu.memory_space<vmem_shared>> -> memref<1x256x64xf32, #tpu.memory_space<vmem_shared>>
      %parallel_loop3A_108 = tpu.memref_squeeze %parallel_loop3A_107 : memref<1x256x64xf32, #tpu.memory_space<vmem_shared>> -> memref<256x64xf32, #tpu.memory_space<vmem_shared>>
      %parallel_loop3A_109 = arith.constant 0 : i32
      %parallel_loop3A_110 = tpu.memref_slice %parallel_loop3A_108[%parallel_loop3A_104, %parallel_loop3A_109] : memref<256x64xf32, #tpu.memory_space<vmem_shared>> -> memref<1x64xf32, #tpu.memory_space<vmem_shared>>
      %parallel_loop3A_111 = arith.constant 0 : i32
      %parallel_loop3A_112 = tpu.memref_slice %arg3[%parallel_loop3A_92, %parallel_loop3A_111] : memref<1000001x64xf32, #tpu.memory_space<hbm>> -> memref<1x64xf32, #tpu.memory_space<hbm>>
      tpu.enqueue_dma source(%parallel_loop3A_112 : memref<1x64xf32, #tpu.memory_space<hbm>>) target(%parallel_loop3A_110 : memref<1x64xf32, #tpu.memory_space<vmem_shared>>) target_semaphore(%arg11 : memref<!tpu.dma_semaphore, #tpu.memory_space<semaphore_mem>>)
      %parallel_loop3A_113 = vector.extract_strided_slice %parallel_loop3A_46 {offsets = [3], sizes = [1], strides = [1]} : vector<16xi32> to vector<1xi32>
      %parallel_loop3A_114 = vector.extract %parallel_loop3A_113[0] : i32 from vector<1xi32>
      %parallel_loop3A_115 = arith.constant 3 : i32
      %parallel_loop3A_116 = arith.addi %parallel_loop3A_41, %parallel_loop3A_115 : i32
      %parallel_loop3A_117 = arith.constant 0 : i32
      %parallel_loop3A_118 = tpu.memref_slice %arg8[%parallel_loop3A_116, %parallel_loop3A_117] : memref<256x64xf32, #tpu.memory_space<vmem>> -> memref<1x64xf32, #tpu.memory_space<vmem>>
      %parallel_loop3A_119 = arith.constant 0 : i32
      %parallel_loop3A_120 = tpu.memref_slice %arg2[%parallel_loop3A_114, %parallel_loop3A_119] : memref<1000001x64xf32, #tpu.memory_space<hbm>> -> memref<1x64xf32, #tpu.memory_space<hbm>>
      %parallel_loop3A_121 = arith.constant 0 : i32
      %parallel_loop3A_122 = tpu.memref_slice %arg8[%parallel_loop3A_116, %parallel_loop3A_121] : memref<256x64xf32, #tpu.memory_space<vmem>> -> memref<1x64xf32, #tpu.memory_space<vmem>>
      %parallel_loop3A_123 = arith.constant 0 : i32
      %parallel_loop3A_124 = tpu.memref_slice %arg2[%parallel_loop3A_114, %parallel_loop3A_123] : memref<1000001x64xf32, #tpu.memory_space<hbm>> -> memref<1x64xf32, #tpu.memory_space<hbm>>
      tpu.enqueue_dma source(%parallel_loop3A_124 : memref<1x64xf32, #tpu.memory_space<hbm>>) target(%parallel_loop3A_122 : memref<1x64xf32, #tpu.memory_space<vmem>>) target_semaphore(%arg10 : memref<!tpu.dma_semaphore, #tpu.memory_space<semaphore_mem>>)
      %parallel_loop3A_125 = arith.constant 3 : i32
      %parallel_loop3A_126 = arith.addi %parallel_loop3A_41, %parallel_loop3A_125 : i32
      %parallel_loop3A_127 = arith.constant 0 : i32
      %parallel_loop3A_128 = arith.constant 0 : i32
      %parallel_loop3A_129 = tpu.memref_slice %arg9[%arg1, %parallel_loop3A_127, %parallel_loop3A_128] : memref<16x256x64xf32, #tpu.memory_space<vmem_shared>> -> memref<1x256x64xf32, #tpu.memory_space<vmem_shared>>
      %parallel_loop3A_130 = tpu.memref_squeeze %parallel_loop3A_129 : memref<1x256x64xf32, #tpu.memory_space<vmem_shared>> -> memref<256x64xf32, #tpu.memory_space<vmem_shared>>
      %parallel_loop3A_131 = arith.constant 0 : i32
      %parallel_loop3A_132 = tpu.memref_slice %parallel_loop3A_130[%parallel_loop3A_126, %parallel_loop3A_131] : memref<256x64xf32, #tpu.memory_space<vmem_shared>> -> memref<1x64xf32, #tpu.memory_space<vmem_shared>>
      %parallel_loop3A_133 = arith.constant 0 : i32
      %parallel_loop3A_134 = tpu.memref_slice %arg3[%parallel_loop3A_114, %parallel_loop3A_133] : memref<1000001x64xf32, #tpu.memory_space<hbm>> -> memref<1x64xf32, #tpu.memory_space<hbm>>
      tpu.enqueue_dma source(%parallel_loop3A_134 : memref<1x64xf32, #tpu.memory_space<hbm>>) target(%parallel_loop3A_132 : memref<1x64xf32, #tpu.memory_space<vmem_shared>>) target_semaphore(%arg11 : memref<!tpu.dma_semaphore, #tpu.memory_space<semaphore_mem>>)
      %parallel_loop3A_135 = vector.extract_strided_slice %parallel_loop3A_46 {offsets = [4], sizes = [1], strides = [1]} : vector<16xi32> to vector<1xi32>
      %parallel_loop3A_136 = vector.extract %parallel_loop3A_135[0] : i32 from vector<1xi32>
      %parallel_loop3A_137 = arith.constant 4 : i32
      %parallel_loop3A_138 = arith.addi %parallel_loop3A_41, %parallel_loop3A_137 : i32
      %parallel_loop3A_139 = arith.constant 0 : i32
      %parallel_loop3A_140 = tpu.memref_slice %arg8[%parallel_loop3A_138, %parallel_loop3A_139] : memref<256x64xf32, #tpu.memory_space<vmem>> -> memref<1x64xf32, #tpu.memory_space<vmem>>
      %parallel_loop3A_141 = arith.constant 0 : i32
      %parallel_loop3A_142 = tpu.memref_slice %arg2[%parallel_loop3A_136, %parallel_loop3A_141] : memref<1000001x64xf32, #tpu.memory_space<hbm>> -> memref<1x64xf32, #tpu.memory_space<hbm>>
      %parallel_loop3A_143 = arith.constant 0 : i32
      %parallel_loop3A_144 = tpu.memref_slice %arg8[%parallel_loop3A_138, %parallel_loop3A_143] : memref<256x64xf32, #tpu.memory_space<vmem>> -> memref<1x64xf32, #tpu.memory_space<vmem>>
      %parallel_loop3A_145 = arith.constant 0 : i32
      %parallel_loop3A_146 = tpu.memref_slice %arg2[%parallel_loop3A_136, %parallel_loop3A_145] : memref<1000001x64xf32, #tpu.memory_space<hbm>> -> memref<1x64xf32, #tpu.memory_space<hbm>>
      tpu.enqueue_dma source(%parallel_loop3A_146 : memref<1x64xf32, #tpu.memory_space<hbm>>) target(%parallel_loop3A_144 : memref<1x64xf32, #tpu.memory_space<vmem>>) target_semaphore(%arg10 : memref<!tpu.dma_semaphore, #tpu.memory_space<semaphore_mem>>)
      %parallel_loop3A_147 = arith.constant 4 : i32
      %parallel_loop3A_148 = arith.addi %parallel_loop3A_41, %parallel_loop3A_147 : i32
      %parallel_loop3A_149 = arith.constant 0 : i32
      %parallel_loop3A_150 = arith.constant 0 : i32
      %parallel_loop3A_151 = tpu.memref_slice %arg9[%arg1, %parallel_loop3A_149, %parallel_loop3A_150] : memref<16x256x64xf32, #tpu.memory_space<vmem_shared>> -> memref<1x256x64xf32, #tpu.memory_space<vmem_shared>>
      %parallel_loop3A_152 = tpu.memref_squeeze %parallel_loop3A_151 : memref<1x256x64xf32, #tpu.memory_space<vmem_shared>> -> memref<256x64xf32, #tpu.memory_space<vmem_shared>>
      %parallel_loop3A_153 = arith.constant 0 : i32
      %parallel_loop3A_154 = tpu.memref_slice %parallel_loop3A_152[%parallel_loop3A_148, %parallel_loop3A_153] : memref<256x64xf32, #tpu.memory_space<vmem_shared>> -> memref<1x64xf32, #tpu.memory_space<vmem_shared>>
      %parallel_loop3A_155 = arith.constant 0 : i32
      %parallel_loop3A_156 = tpu.memref_slice %arg3[%parallel_loop3A_136, %parallel_loop3A_155] : memref<1000001x64xf32, #tpu.memory_space<hbm>> -> memref<1x64xf32, #tpu.memory_space<hbm>>
      tpu.enqueue_dma source(%parallel_loop3A_156 : memref<1x64xf32, #tpu.memory_space<hbm>>) target(%parallel_loop3A_154 : memref<1x64xf32, #tpu.memory_space<vmem_shared>>) target_semaphore(%arg11 : memref<!tpu.dma_semaphore, #tpu.memory_space<semaphore_mem>>)
      %parallel_loop3A_157 = vector.extract_strided_slice %parallel_loop3A_46 {offsets = [5], sizes = [1], strides = [1]} : vector<16xi32> to vector<1xi32>
      %parallel_loop3A_158 = vector.extract %parallel_loop3A_157[0] : i32 from vector<1xi32>
      %parallel_loop3A_159 = arith.constant 5 : i32
      %parallel_loop3A_160 = arith.addi %parallel_loop3A_41, %parallel_loop3A_159 : i32
      %parallel_loop3A_161 = arith.constant 0 : i32
      %parallel_loop3A_162 = tpu.memref_slice %arg8[%parallel_loop3A_160, %parallel_loop3A_161] : memref<256x64xf32, #tpu.memory_space<vmem>> -> memref<1x64xf32, #tpu.memory_space<vmem>>
      %parallel_loop3A_163 = arith.constant 0 : i32
      %parallel_loop3A_164 = tpu.memref_slice %arg2[%parallel_loop3A_158, %parallel_loop3A_163] : memref<1000001x64xf32, #tpu.memory_space<hbm>> -> memref<1x64xf32, #tpu.memory_space<hbm>>
      %parallel_loop3A_165 = arith.constant 0 : i32
      %parallel_loop3A_166 = tpu.memref_slice %arg8[%parallel_loop3A_160, %parallel_loop3A_165] : memref<256x64xf32, #tpu.memory_space<vmem>> -> memref<1x64xf32, #tpu.memory_space<vmem>>
      %parallel_loop3A_167 = arith.constant 0 : i32
      %parallel_loop3A_168 = tpu.memref_slice %arg2[%parallel_loop3A_158, %parallel_loop3A_167] : memref<1000001x64xf32, #tpu.memory_space<hbm>> -> memref<1x64xf32, #tpu.memory_space<hbm>>
      tpu.enqueue_dma source(%parallel_loop3A_168 : memref<1x64xf32, #tpu.memory_space<hbm>>) target(%parallel_loop3A_166 : memref<1x64xf32, #tpu.memory_space<vmem>>) target_semaphore(%arg10 : memref<!tpu.dma_semaphore, #tpu.memory_space<semaphore_mem>>)
      %parallel_loop3A_169 = arith.constant 5 : i32
      %parallel_loop3A_170 = arith.addi %parallel_loop3A_41, %parallel_loop3A_169 : i32
      %parallel_loop3A_171 = arith.constant 0 : i32
      %parallel_loop3A_172 = arith.constant 0 : i32
      %parallel_loop3A_173 = tpu.memref_slice %arg9[%arg1, %parallel_loop3A_171, %parallel_loop3A_172] : memref<16x256x64xf32, #tpu.memory_space<vmem_shared>> -> memref<1x256x64xf32, #tpu.memory_space<vmem_shared>>
      %parallel_loop3A_174 = tpu.memref_squeeze %parallel_loop3A_173 : memref<1x256x64xf32, #tpu.memory_space<vmem_shared>> -> memref<256x64xf32, #tpu.memory_space<vmem_shared>>
      %parallel_loop3A_175 = arith.constant 0 : i32
      %parallel_loop3A_176 = tpu.memref_slice %parallel_loop3A_174[%parallel_loop3A_170, %parallel_loop3A_175] : memref<256x64xf32, #tpu.memory_space<vmem_shared>> -> memref<1x64xf32, #tpu.memory_space<vmem_shared>>
      %parallel_loop3A_177 = arith.constant 0 : i32
      %parallel_loop3A_178 = tpu.memref_slice %arg3[%parallel_loop3A_158, %parallel_loop3A_177] : memref<1000001x64xf32, #tpu.memory_space<hbm>> -> memref<1x64xf32, #tpu.memory_space<hbm>>
      tpu.enqueue_dma source(%parallel_loop3A_178 : memref<1x64xf32, #tpu.memory_space<hbm>>) target(%parallel_loop3A_176 : memref<1x64xf32, #tpu.memory_space<vmem_shared>>) target_semaphore(%arg11 : memref<!tpu.dma_semaphore, #tpu.memory_space<semaphore_mem>>)
      %parallel_loop3A_179 = vector.extract_strided_slice %parallel_loop3A_46 {offsets = [6], sizes = [1], strides = [1]} : vector<16xi32> to vector<1xi32>
      %parallel_loop3A_180 = vector.extract %parallel_loop3A_179[0] : i32 from vector<1xi32>
      %parallel_loop3A_181 = arith.constant 6 : i32
      %parallel_loop3A_182 = arith.addi %parallel_loop3A_41, %parallel_loop3A_181 : i32
      %parallel_loop3A_183 = arith.constant 0 : i32
      %parallel_loop3A_184 = tpu.memref_slice %arg8[%parallel_loop3A_182, %parallel_loop3A_183] : memref<256x64xf32, #tpu.memory_space<vmem>> -> memref<1x64xf32, #tpu.memory_space<vmem>>
      %parallel_loop3A_185 = arith.constant 0 : i32
      %parallel_loop3A_186 = tpu.memref_slice %arg2[%parallel_loop3A_180, %parallel_loop3A_185] : memref<1000001x64xf32, #tpu.memory_space<hbm>> -> memref<1x64xf32, #tpu.memory_space<hbm>>
      %parallel_loop3A_187 = arith.constant 0 : i32
      %parallel_loop3A_188 = tpu.memref_slice %arg8[%parallel_loop3A_182, %parallel_loop3A_187] : memref<256x64xf32, #tpu.memory_space<vmem>> -> memref<1x64xf32, #tpu.memory_space<vmem>>
      %parallel_loop3A_189 = arith.constant 0 : i32
      %parallel_loop3A_190 = tpu.memref_slice %arg2[%parallel_loop3A_180, %parallel_loop3A_189] : memref<1000001x64xf32, #tpu.memory_space<hbm>> -> memref<1x64xf32, #tpu.memory_space<hbm>>
      tpu.enqueue_dma source(%parallel_loop3A_190 : memref<1x64xf32, #tpu.memory_space<hbm>>) target(%parallel_loop3A_188 : memref<1x64xf32, #tpu.memory_space<vmem>>) target_semaphore(%arg10 : memref<!tpu.dma_semaphore, #tpu.memory_space<semaphore_mem>>)
      %parallel_loop3A_191 = arith.constant 6 : i32
      %parallel_loop3A_192 = arith.addi %parallel_loop3A_41, %parallel_loop3A_191 : i32
      %parallel_loop3A_193 = arith.constant 0 : i32
      %parallel_loop3A_194 = arith.constant 0 : i32
      %parallel_loop3A_195 = tpu.memref_slice %arg9[%arg1, %parallel_loop3A_193, %parallel_loop3A_194] : memref<16x256x64xf32, #tpu.memory_space<vmem_shared>> -> memref<1x256x64xf32, #tpu.memory_space<vmem_shared>>
      %parallel_loop3A_196 = tpu.memref_squeeze %parallel_loop3A_195 : memref<1x256x64xf32, #tpu.memory_space<vmem_shared>> -> memref<256x64xf32, #tpu.memory_space<vmem_shared>>
      %parallel_loop3A_197 = arith.constant 0 : i32
      %parallel_loop3A_198 = tpu.memref_slice %parallel_loop3A_196[%parallel_loop3A_192, %parallel_loop3A_197] : memref<256x64xf32, #tpu.memory_space<vmem_shared>> -> memref<1x64xf32, #tpu.memory_space<vmem_shared>>
      %parallel_loop3A_199 = arith.constant 0 : i32
      %parallel_loop3A_200 = tpu.memref_slice %arg3[%parallel_loop3A_180, %parallel_loop3A_199] : memref<1000001x64xf32, #tpu.memory_space<hbm>> -> memref<1x64xf32, #tpu.memory_space<hbm>>
      tpu.enqueue_dma source(%parallel_loop3A_200 : memref<1x64xf32, #tpu.memory_space<hbm>>) target(%parallel_loop3A_198 : memref<1x64xf32, #tpu.memory_space<vmem_shared>>) target_semaphore(%arg11 : memref<!tpu.dma_semaphore, #tpu.memory_space<semaphore_mem>>)
      %parallel_loop3A_201 = vector.extract_strided_slice %parallel_loop3A_46 {offsets = [7], sizes = [1], strides = [1]} : vector<16xi32> to vector<1xi32>
      %parallel_loop3A_202 = vector.extract %parallel_loop3A_201[0] : i32 from vector<1xi32>
      %parallel_loop3A_203 = arith.constant 7 : i32
      %parallel_loop3A_204 = arith.addi %parallel_loop3A_41, %parallel_loop3A_203 : i32
      %parallel_loop3A_205 = arith.constant 0 : i32
      %parallel_loop3A_206 = tpu.memref_slice %arg8[%parallel_loop3A_204, %parallel_loop3A_205] : memref<256x64xf32, #tpu.memory_space<vmem>> -> memref<1x64xf32, #tpu.memory_space<vmem>>
      %parallel_loop3A_207 = arith.constant 0 : i32
      %parallel_loop3A_208 = tpu.memref_slice %arg2[%parallel_loop3A_202, %parallel_loop3A_207] : memref<1000001x64xf32, #tpu.memory_space<hbm>> -> memref<1x64xf32, #tpu.memory_space<hbm>>
      %parallel_loop3A_209 = arith.constant 0 : i32
      %parallel_loop3A_210 = tpu.memref_slice %arg8[%parallel_loop3A_204, %parallel_loop3A_209] : memref<256x64xf32, #tpu.memory_space<vmem>> -> memref<1x64xf32, #tpu.memory_space<vmem>>
      %parallel_loop3A_211 = arith.constant 0 : i32
      %parallel_loop3A_212 = tpu.memref_slice %arg2[%parallel_loop3A_202, %parallel_loop3A_211] : memref<1000001x64xf32, #tpu.memory_space<hbm>> -> memref<1x64xf32, #tpu.memory_space<hbm>>
      tpu.enqueue_dma source(%parallel_loop3A_212 : memref<1x64xf32, #tpu.memory_space<hbm>>) target(%parallel_loop3A_210 : memref<1x64xf32, #tpu.memory_space<vmem>>) target_semaphore(%arg10 : memref<!tpu.dma_semaphore, #tpu.memory_space<semaphore_mem>>)
      %parallel_loop3A_213 = arith.constant 7 : i32
      %parallel_loop3A_214 = arith.addi %parallel_loop3A_41, %parallel_loop3A_213 : i32
      %parallel_loop3A_215 = arith.constant 0 : i32
      %parallel_loop3A_216 = arith.constant 0 : i32
      %parallel_loop3A_217 = tpu.memref_slice %arg9[%arg1, %parallel_loop3A_215, %parallel_loop3A_216] : memref<16x256x64xf32, #tpu.memory_space<vmem_shared>> -> memref<1x256x64xf32, #tpu.memory_space<vmem_shared>>
      %parallel_loop3A_218 = tpu.memref_squeeze %parallel_loop3A_217 : memref<1x256x64xf32, #tpu.memory_space<vmem_shared>> -> memref<256x64xf32, #tpu.memory_space<vmem_shared>>
      %parallel_loop3A_219 = arith.constant 0 : i32
      %parallel_loop3A_220 = tpu.memref_slice %parallel_loop3A_218[%parallel_loop3A_214, %parallel_loop3A_219] : memref<256x64xf32, #tpu.memory_space<vmem_shared>> -> memref<1x64xf32, #tpu.memory_space<vmem_shared>>
      %parallel_loop3A_221 = arith.constant 0 : i32
      %parallel_loop3A_222 = tpu.memref_slice %arg3[%parallel_loop3A_202, %parallel_loop3A_221] : memref<1000001x64xf32, #tpu.memory_space<hbm>> -> memref<1x64xf32, #tpu.memory_space<hbm>>
      tpu.enqueue_dma source(%parallel_loop3A_222 : memref<1x64xf32, #tpu.memory_space<hbm>>) target(%parallel_loop3A_220 : memref<1x64xf32, #tpu.memory_space<vmem_shared>>) target_semaphore(%arg11 : memref<!tpu.dma_semaphore, #tpu.memory_space<semaphore_mem>>)
      %parallel_loop3A_223 = vector.extract_strided_slice %parallel_loop3A_46 {offsets = [8], sizes = [1], strides = [1]} : vector<16xi32> to vector<1xi32>
      %parallel_loop3A_224 = vector.extract %parallel_loop3A_223[0] : i32 from vector<1xi32>
      %parallel_loop3A_225 = arith.constant 8 : i32
      %parallel_loop3A_226 = arith.addi %parallel_loop3A_41, %parallel_loop3A_225 : i32
      %parallel_loop3A_227 = arith.constant 0 : i32
      %parallel_loop3A_228 = tpu.memref_slice %arg8[%parallel_loop3A_226, %parallel_loop3A_227] : memref<256x64xf32, #tpu.memory_space<vmem>> -> memref<1x64xf32, #tpu.memory_space<vmem>>
      %parallel_loop3A_229 = arith.constant 0 : i32
      %parallel_loop3A_230 = tpu.memref_slice %arg2[%parallel_loop3A_224, %parallel_loop3A_229] : memref<1000001x64xf32, #tpu.memory_space<hbm>> -> memref<1x64xf32, #tpu.memory_space<hbm>>
      %parallel_loop3A_231 = arith.constant 0 : i32
      %parallel_loop3A_232 = tpu.memref_slice %arg8[%parallel_loop3A_226, %parallel_loop3A_231] : memref<256x64xf32, #tpu.memory_space<vmem>> -> memref<1x64xf32, #tpu.memory_space<vmem>>
      %parallel_loop3A_233 = arith.constant 0 : i32
      %parallel_loop3A_234 = tpu.memref_slice %arg2[%parallel_loop3A_224, %parallel_loop3A_233] : memref<1000001x64xf32, #tpu.memory_space<hbm>> -> memref<1x64xf32, #tpu.memory_space<hbm>>
      tpu.enqueue_dma source(%parallel_loop3A_234 : memref<1x64xf32, #tpu.memory_space<hbm>>) target(%parallel_loop3A_232 : memref<1x64xf32, #tpu.memory_space<vmem>>) target_semaphore(%arg10 : memref<!tpu.dma_semaphore, #tpu.memory_space<semaphore_mem>>)
      %parallel_loop3A_235 = arith.constant 8 : i32
      %parallel_loop3A_236 = arith.addi %parallel_loop3A_41, %parallel_loop3A_235 : i32
      %parallel_loop3A_237 = arith.constant 0 : i32
      %parallel_loop3A_238 = arith.constant 0 : i32
      %parallel_loop3A_239 = tpu.memref_slice %arg9[%arg1, %parallel_loop3A_237, %parallel_loop3A_238] : memref<16x256x64xf32, #tpu.memory_space<vmem_shared>> -> memref<1x256x64xf32, #tpu.memory_space<vmem_shared>>
      %parallel_loop3A_240 = tpu.memref_squeeze %parallel_loop3A_239 : memref<1x256x64xf32, #tpu.memory_space<vmem_shared>> -> memref<256x64xf32, #tpu.memory_space<vmem_shared>>
      %parallel_loop3A_241 = arith.constant 0 : i32
      %parallel_loop3A_242 = tpu.memref_slice %parallel_loop3A_240[%parallel_loop3A_236, %parallel_loop3A_241] : memref<256x64xf32, #tpu.memory_space<vmem_shared>> -> memref<1x64xf32, #tpu.memory_space<vmem_shared>>
      %parallel_loop3A_243 = arith.constant 0 : i32
      %parallel_loop3A_244 = tpu.memref_slice %arg3[%parallel_loop3A_224, %parallel_loop3A_243] : memref<1000001x64xf32, #tpu.memory_space<hbm>> -> memref<1x64xf32, #tpu.memory_space<hbm>>
      tpu.enqueue_dma source(%parallel_loop3A_244 : memref<1x64xf32, #tpu.memory_space<hbm>>) target(%parallel_loop3A_242 : memref<1x64xf32, #tpu.memory_space<vmem_shared>>) target_semaphore(%arg11 : memref<!tpu.dma_semaphore, #tpu.memory_space<semaphore_mem>>)
      %parallel_loop3A_245 = vector.extract_strided_slice %parallel_loop3A_46 {offsets = [9], sizes = [1], strides = [1]} : vector<16xi32> to vector<1xi32>
      %parallel_loop3A_246 = vector.extract %parallel_loop3A_245[0] : i32 from vector<1xi32>
      %parallel_loop3A_247 = arith.constant 9 : i32
      %parallel_loop3A_248 = arith.addi %parallel_loop3A_41, %parallel_loop3A_247 : i32
      %parallel_loop3A_249 = arith.constant 0 : i32
      %parallel_loop3A_250 = tpu.memref_slice %arg8[%parallel_loop3A_248, %parallel_loop3A_249] : memref<256x64xf32, #tpu.memory_space<vmem>> -> memref<1x64xf32, #tpu.memory_space<vmem>>
      %parallel_loop3A_251 = arith.constant 0 : i32
      %parallel_loop3A_252 = tpu.memref_slice %arg2[%parallel_loop3A_246, %parallel_loop3A_251] : memref<1000001x64xf32, #tpu.memory_space<hbm>> -> memref<1x64xf32, #tpu.memory_space<hbm>>
      %parallel_loop3A_253 = arith.constant 0 : i32
      %parallel_loop3A_254 = tpu.memref_slice %arg8[%parallel_loop3A_248, %parallel_loop3A_253] : memref<256x64xf32, #tpu.memory_space<vmem>> -> memref<1x64xf32, #tpu.memory_space<vmem>>
      %parallel_loop3A_255 = arith.constant 0 : i32
      %parallel_loop3A_256 = tpu.memref_slice %arg2[%parallel_loop3A_246, %parallel_loop3A_255] : memref<1000001x64xf32, #tpu.memory_space<hbm>> -> memref<1x64xf32, #tpu.memory_space<hbm>>
      tpu.enqueue_dma source(%parallel_loop3A_256 : memref<1x64xf32, #tpu.memory_space<hbm>>) target(%parallel_loop3A_254 : memref<1x64xf32, #tpu.memory_space<vmem>>) target_semaphore(%arg10 : memref<!tpu.dma_semaphore, #tpu.memory_space<semaphore_mem>>)
      %parallel_loop3A_257 = arith.constant 9 : i32
      %parallel_loop3A_258 = arith.addi %parallel_loop3A_41, %parallel_loop3A_257 : i32
      %parallel_loop3A_259 = arith.constant 0 : i32
      %parallel_loop3A_260 = arith.constant 0 : i32
      %parallel_loop3A_261 = tpu.memref_slice %arg9[%arg1, %parallel_loop3A_259, %parallel_loop3A_260] : memref<16x256x64xf32, #tpu.memory_space<vmem_shared>> -> memref<1x256x64xf32, #tpu.memory_space<vmem_shared>>
      %parallel_loop3A_262 = tpu.memref_squeeze %parallel_loop3A_261 : memref<1x256x64xf32, #tpu.memory_space<vmem_shared>> -> memref<256x64xf32, #tpu.memory_space<vmem_shared>>
      %parallel_loop3A_263 = arith.constant 0 : i32
      %parallel_loop3A_264 = tpu.memref_slice %parallel_loop3A_262[%parallel_loop3A_258, %parallel_loop3A_263] : memref<256x64xf32, #tpu.memory_space<vmem_shared>> -> memref<1x64xf32, #tpu.memory_space<vmem_shared>>
      %parallel_loop3A_265 = arith.constant 0 : i32
      %parallel_loop3A_266 = tpu.memref_slice %arg3[%parallel_loop3A_246, %parallel_loop3A_265] : memref<1000001x64xf32, #tpu.memory_space<hbm>> -> memref<1x64xf32, #tpu.memory_space<hbm>>
      tpu.enqueue_dma source(%parallel_loop3A_266 : memref<1x64xf32, #tpu.memory_space<hbm>>) target(%parallel_loop3A_264 : memref<1x64xf32, #tpu.memory_space<vmem_shared>>) target_semaphore(%arg11 : memref<!tpu.dma_semaphore, #tpu.memory_space<semaphore_mem>>)
      %parallel_loop3A_267 = vector.extract_strided_slice %parallel_loop3A_46 {offsets = [10], sizes = [1], strides = [1]} : vector<16xi32> to vector<1xi32>
      %parallel_loop3A_268 = vector.extract %parallel_loop3A_267[0] : i32 from vector<1xi32>
      %parallel_loop3A_269 = arith.constant 10 : i32
      %parallel_loop3A_270 = arith.addi %parallel_loop3A_41, %parallel_loop3A_269 : i32
      %parallel_loop3A_271 = arith.constant 0 : i32
      %parallel_loop3A_272 = tpu.memref_slice %arg8[%parallel_loop3A_270, %parallel_loop3A_271] : memref<256x64xf32, #tpu.memory_space<vmem>> -> memref<1x64xf32, #tpu.memory_space<vmem>>
      %parallel_loop3A_273 = arith.constant 0 : i32
      %parallel_loop3A_274 = tpu.memref_slice %arg2[%parallel_loop3A_268, %parallel_loop3A_273] : memref<1000001x64xf32, #tpu.memory_space<hbm>> -> memref<1x64xf32, #tpu.memory_space<hbm>>
      %parallel_loop3A_275 = arith.constant 0 : i32
      %parallel_loop3A_276 = tpu.memref_slice %arg8[%parallel_loop3A_270, %parallel_loop3A_275] : memref<256x64xf32, #tpu.memory_space<vmem>> -> memref<1x64xf32, #tpu.memory_space<vmem>>
      %parallel_loop3A_277 = arith.constant 0 : i32
      %parallel_loop3A_278 = tpu.memref_slice %arg2[%parallel_loop3A_268, %parallel_loop3A_277] : memref<1000001x64xf32, #tpu.memory_space<hbm>> -> memref<1x64xf32, #tpu.memory_space<hbm>>
      tpu.enqueue_dma source(%parallel_loop3A_278 : memref<1x64xf32, #tpu.memory_space<hbm>>) target(%parallel_loop3A_276 : memref<1x64xf32, #tpu.memory_space<vmem>>) target_semaphore(%arg10 : memref<!tpu.dma_semaphore, #tpu.memory_space<semaphore_mem>>)
      %parallel_loop3A_279 = arith.constant 10 : i32
      %parallel_loop3A_280 = arith.addi %parallel_loop3A_41, %parallel_loop3A_279 : i32
      %parallel_loop3A_281 = arith.constant 0 : i32
      %parallel_loop3A_282 = arith.constant 0 : i32
      %parallel_loop3A_283 = tpu.memref_slice %arg9[%arg1, %parallel_loop3A_281, %parallel_loop3A_282] : memref<16x256x64xf32, #tpu.memory_space<vmem_shared>> -> memref<1x256x64xf32, #tpu.memory_space<vmem_shared>>
      %parallel_loop3A_284 = tpu.memref_squeeze %parallel_loop3A_283 : memref<1x256x64xf32, #tpu.memory_space<vmem_shared>> -> memref<256x64xf32, #tpu.memory_space<vmem_shared>>
      %parallel_loop3A_285 = arith.constant 0 : i32
      %parallel_loop3A_286 = tpu.memref_slice %parallel_loop3A_284[%parallel_loop3A_280, %parallel_loop3A_285] : memref<256x64xf32, #tpu.memory_space<vmem_shared>> -> memref<1x64xf32, #tpu.memory_space<vmem_shared>>
      %parallel_loop3A_287 = arith.constant 0 : i32
      %parallel_loop3A_288 = tpu.memref_slice %arg3[%parallel_loop3A_268, %parallel_loop3A_287] : memref<1000001x64xf32, #tpu.memory_space<hbm>> -> memref<1x64xf32, #tpu.memory_space<hbm>>
      tpu.enqueue_dma source(%parallel_loop3A_288 : memref<1x64xf32, #tpu.memory_space<hbm>>) target(%parallel_loop3A_286 : memref<1x64xf32, #tpu.memory_space<vmem_shared>>) target_semaphore(%arg11 : memref<!tpu.dma_semaphore, #tpu.memory_space<semaphore_mem>>)
      %parallel_loop3A_289 = vector.extract_strided_slice %parallel_loop3A_46 {offsets = [11], sizes = [1], strides = [1]} : vector<16xi32> to vector<1xi32>
      %parallel_loop3A_290 = vector.extract %parallel_loop3A_289[0] : i32 from vector<1xi32>
      %parallel_loop3A_291 = arith.constant 11 : i32
      %parallel_loop3A_292 = arith.addi %parallel_loop3A_41, %parallel_loop3A_291 : i32
      %parallel_loop3A_293 = arith.constant 0 : i32
      %parallel_loop3A_294 = tpu.memref_slice %arg8[%parallel_loop3A_292, %parallel_loop3A_293] : memref<256x64xf32, #tpu.memory_space<vmem>> -> memref<1x64xf32, #tpu.memory_space<vmem>>
      %parallel_loop3A_295 = arith.constant 0 : i32
      %parallel_loop3A_296 = tpu.memref_slice %arg2[%parallel_loop3A_290, %parallel_loop3A_295] : memref<1000001x64xf32, #tpu.memory_space<hbm>> -> memref<1x64xf32, #tpu.memory_space<hbm>>
      %parallel_loop3A_297 = arith.constant 0 : i32
      %parallel_loop3A_298 = tpu.memref_slice %arg8[%parallel_loop3A_292, %parallel_loop3A_297] : memref<256x64xf32, #tpu.memory_space<vmem>> -> memref<1x64xf32, #tpu.memory_space<vmem>>
      %parallel_loop3A_299 = arith.constant 0 : i32
      %parallel_loop3A_300 = tpu.memref_slice %arg2[%parallel_loop3A_290, %parallel_loop3A_299] : memref<1000001x64xf32, #tpu.memory_space<hbm>> -> memref<1x64xf32, #tpu.memory_space<hbm>>
      tpu.enqueue_dma source(%parallel_loop3A_300 : memref<1x64xf32, #tpu.memory_space<hbm>>) target(%parallel_loop3A_298 : memref<1x64xf32, #tpu.memory_space<vmem>>) target_semaphore(%arg10 : memref<!tpu.dma_semaphore, #tpu.memory_space<semaphore_mem>>)
      %parallel_loop3A_301 = arith.constant 11 : i32
      %parallel_loop3A_302 = arith.addi %parallel_loop3A_41, %parallel_loop3A_301 : i32
      %parallel_loop3A_303 = arith.constant 0 : i32
      %parallel_loop3A_304 = arith.constant 0 : i32
      %parallel_loop3A_305 = tpu.memref_slice %arg9[%arg1, %parallel_loop3A_303, %parallel_loop3A_304] : memref<16x256x64xf32, #tpu.memory_space<vmem_shared>> -> memref<1x256x64xf32, #tpu.memory_space<vmem_shared>>
      %parallel_loop3A_306 = tpu.memref_squeeze %parallel_loop3A_305 : memref<1x256x64xf32, #tpu.memory_space<vmem_shared>> -> memref<256x64xf32, #tpu.memory_space<vmem_shared>>
      %parallel_loop3A_307 = arith.constant 0 : i32
      %parallel_loop3A_308 = tpu.memref_slice %parallel_loop3A_306[%parallel_loop3A_302, %parallel_loop3A_307] : memref<256x64xf32, #tpu.memory_space<vmem_shared>> -> memref<1x64xf32, #tpu.memory_space<vmem_shared>>
      %parallel_loop3A_309 = arith.constant 0 : i32
      %parallel_loop3A_310 = tpu.memref_slice %arg3[%parallel_loop3A_290, %parallel_loop3A_309] : memref<1000001x64xf32, #tpu.memory_space<hbm>> -> memref<1x64xf32, #tpu.memory_space<hbm>>
      tpu.enqueue_dma source(%parallel_loop3A_310 : memref<1x64xf32, #tpu.memory_space<hbm>>) target(%parallel_loop3A_308 : memref<1x64xf32, #tpu.memory_space<vmem_shared>>) target_semaphore(%arg11 : memref<!tpu.dma_semaphore, #tpu.memory_space<semaphore_mem>>)
      %parallel_loop3A_311 = vector.extract_strided_slice %parallel_loop3A_46 {offsets = [12], sizes = [1], strides = [1]} : vector<16xi32> to vector<1xi32>
      %parallel_loop3A_312 = vector.extract %parallel_loop3A_311[0] : i32 from vector<1xi32>
      %parallel_loop3A_313 = arith.constant 12 : i32
      %parallel_loop3A_314 = arith.addi %parallel_loop3A_41, %parallel_loop3A_313 : i32
      %parallel_loop3A_315 = arith.constant 0 : i32
      %parallel_loop3A_316 = tpu.memref_slice %arg8[%parallel_loop3A_314, %parallel_loop3A_315] : memref<256x64xf32, #tpu.memory_space<vmem>> -> memref<1x64xf32, #tpu.memory_space<vmem>>
      %parallel_loop3A_317 = arith.constant 0 : i32
      %parallel_loop3A_318 = tpu.memref_slice %arg2[%parallel_loop3A_312, %parallel_loop3A_317] : memref<1000001x64xf32, #tpu.memory_space<hbm>> -> memref<1x64xf32, #tpu.memory_space<hbm>>
      %parallel_loop3A_319 = arith.constant 0 : i32
      %parallel_loop3A_320 = tpu.memref_slice %arg8[%parallel_loop3A_314, %parallel_loop3A_319] : memref<256x64xf32, #tpu.memory_space<vmem>> -> memref<1x64xf32, #tpu.memory_space<vmem>>
      %parallel_loop3A_321 = arith.constant 0 : i32
      %parallel_loop3A_322 = tpu.memref_slice %arg2[%parallel_loop3A_312, %parallel_loop3A_321] : memref<1000001x64xf32, #tpu.memory_space<hbm>> -> memref<1x64xf32, #tpu.memory_space<hbm>>
      tpu.enqueue_dma source(%parallel_loop3A_322 : memref<1x64xf32, #tpu.memory_space<hbm>>) target(%parallel_loop3A_320 : memref<1x64xf32, #tpu.memory_space<vmem>>) target_semaphore(%arg10 : memref<!tpu.dma_semaphore, #tpu.memory_space<semaphore_mem>>)
      %parallel_loop3A_323 = arith.constant 12 : i32
      %parallel_loop3A_324 = arith.addi %parallel_loop3A_41, %parallel_loop3A_323 : i32
      %parallel_loop3A_325 = arith.constant 0 : i32
      %parallel_loop3A_326 = arith.constant 0 : i32
      %parallel_loop3A_327 = tpu.memref_slice %arg9[%arg1, %parallel_loop3A_325, %parallel_loop3A_326] : memref<16x256x64xf32, #tpu.memory_space<vmem_shared>> -> memref<1x256x64xf32, #tpu.memory_space<vmem_shared>>
      %parallel_loop3A_328 = tpu.memref_squeeze %parallel_loop3A_327 : memref<1x256x64xf32, #tpu.memory_space<vmem_shared>> -> memref<256x64xf32, #tpu.memory_space<vmem_shared>>
      %parallel_loop3A_329 = arith.constant 0 : i32
      %parallel_loop3A_330 = tpu.memref_slice %parallel_loop3A_328[%parallel_loop3A_324, %parallel_loop3A_329] : memref<256x64xf32, #tpu.memory_space<vmem_shared>> -> memref<1x64xf32, #tpu.memory_space<vmem_shared>>
      %parallel_loop3A_331 = arith.constant 0 : i32
      %parallel_loop3A_332 = tpu.memref_slice %arg3[%parallel_loop3A_312, %parallel_loop3A_331] : memref<1000001x64xf32, #tpu.memory_space<hbm>> -> memref<1x64xf32, #tpu.memory_space<hbm>>
      tpu.enqueue_dma source(%parallel_loop3A_332 : memref<1x64xf32, #tpu.memory_space<hbm>>) target(%parallel_loop3A_330 : memref<1x64xf32, #tpu.memory_space<vmem_shared>>) target_semaphore(%arg11 : memref<!tpu.dma_semaphore, #tpu.memory_space<semaphore_mem>>)
      %parallel_loop3A_333 = vector.extract_strided_slice %parallel_loop3A_46 {offsets = [13], sizes = [1], strides = [1]} : vector<16xi32> to vector<1xi32>
      %parallel_loop3A_334 = vector.extract %parallel_loop3A_333[0] : i32 from vector<1xi32>
      %parallel_loop3A_335 = arith.constant 13 : i32
      %parallel_loop3A_336 = arith.addi %parallel_loop3A_41, %parallel_loop3A_335 : i32
      %parallel_loop3A_337 = arith.constant 0 : i32
      %parallel_loop3A_338 = tpu.memref_slice %arg8[%parallel_loop3A_336, %parallel_loop3A_337] : memref<256x64xf32, #tpu.memory_space<vmem>> -> memref<1x64xf32, #tpu.memory_space<vmem>>
      %parallel_loop3A_339 = arith.constant 0 : i32
      %parallel_loop3A_340 = tpu.memref_slice %arg2[%parallel_loop3A_334, %parallel_loop3A_339] : memref<1000001x64xf32, #tpu.memory_space<hbm>> -> memref<1x64xf32, #tpu.memory_space<hbm>>
      %parallel_loop3A_341 = arith.constant 0 : i32
      %parallel_loop3A_342 = tpu.memref_slice %arg8[%parallel_loop3A_336, %parallel_loop3A_341] : memref<256x64xf32, #tpu.memory_space<vmem>> -> memref<1x64xf32, #tpu.memory_space<vmem>>
      %parallel_loop3A_343 = arith.constant 0 : i32
      %parallel_loop3A_344 = tpu.memref_slice %arg2[%parallel_loop3A_334, %parallel_loop3A_343] : memref<1000001x64xf32, #tpu.memory_space<hbm>> -> memref<1x64xf32, #tpu.memory_space<hbm>>
      tpu.enqueue_dma source(%parallel_loop3A_344 : memref<1x64xf32, #tpu.memory_space<hbm>>) target(%parallel_loop3A_342 : memref<1x64xf32, #tpu.memory_space<vmem>>) target_semaphore(%arg10 : memref<!tpu.dma_semaphore, #tpu.memory_space<semaphore_mem>>)
      %parallel_loop3A_345 = arith.constant 13 : i32
      %parallel_loop3A_346 = arith.addi %parallel_loop3A_41, %parallel_loop3A_345 : i32
      %parallel_loop3A_347 = arith.constant 0 : i32
      %parallel_loop3A_348 = arith.constant 0 : i32
      %parallel_loop3A_349 = tpu.memref_slice %arg9[%arg1, %parallel_loop3A_347, %parallel_loop3A_348] : memref<16x256x64xf32, #tpu.memory_space<vmem_shared>> -> memref<1x256x64xf32, #tpu.memory_space<vmem_shared>>
      %parallel_loop3A_350 = tpu.memref_squeeze %parallel_loop3A_349 : memref<1x256x64xf32, #tpu.memory_space<vmem_shared>> -> memref<256x64xf32, #tpu.memory_space<vmem_shared>>
      %parallel_loop3A_351 = arith.constant 0 : i32
      %parallel_loop3A_352 = tpu.memref_slice %parallel_loop3A_350[%parallel_loop3A_346, %parallel_loop3A_351] : memref<256x64xf32, #tpu.memory_space<vmem_shared>> -> memref<1x64xf32, #tpu.memory_space<vmem_shared>>
      %parallel_loop3A_353 = arith.constant 0 : i32
      %parallel_loop3A_354 = tpu.memref_slice %arg3[%parallel_loop3A_334, %parallel_loop3A_353] : memref<1000001x64xf32, #tpu.memory_space<hbm>> -> memref<1x64xf32, #tpu.memory_space<hbm>>
      tpu.enqueue_dma source(%parallel_loop3A_354 : memref<1x64xf32, #tpu.memory_space<hbm>>) target(%parallel_loop3A_352 : memref<1x64xf32, #tpu.memory_space<vmem_shared>>) target_semaphore(%arg11 : memref<!tpu.dma_semaphore, #tpu.memory_space<semaphore_mem>>)
      %parallel_loop3A_355 = vector.extract_strided_slice %parallel_loop3A_46 {offsets = [14], sizes = [1], strides = [1]} : vector<16xi32> to vector<1xi32>
      %parallel_loop3A_356 = vector.extract %parallel_loop3A_355[0] : i32 from vector<1xi32>
      %parallel_loop3A_357 = arith.constant 14 : i32
      %parallel_loop3A_358 = arith.addi %parallel_loop3A_41, %parallel_loop3A_357 : i32
      %parallel_loop3A_359 = arith.constant 0 : i32
      %parallel_loop3A_360 = tpu.memref_slice %arg8[%parallel_loop3A_358, %parallel_loop3A_359] : memref<256x64xf32, #tpu.memory_space<vmem>> -> memref<1x64xf32, #tpu.memory_space<vmem>>
      %parallel_loop3A_361 = arith.constant 0 : i32
      %parallel_loop3A_362 = tpu.memref_slice %arg2[%parallel_loop3A_356, %parallel_loop3A_361] : memref<1000001x64xf32, #tpu.memory_space<hbm>> -> memref<1x64xf32, #tpu.memory_space<hbm>>
      %parallel_loop3A_363 = arith.constant 0 : i32
      %parallel_loop3A_364 = tpu.memref_slice %arg8[%parallel_loop3A_358, %parallel_loop3A_363] : memref<256x64xf32, #tpu.memory_space<vmem>> -> memref<1x64xf32, #tpu.memory_space<vmem>>
      %parallel_loop3A_365 = arith.constant 0 : i32
      %parallel_loop3A_366 = tpu.memref_slice %arg2[%parallel_loop3A_356, %parallel_loop3A_365] : memref<1000001x64xf32, #tpu.memory_space<hbm>> -> memref<1x64xf32, #tpu.memory_space<hbm>>
      tpu.enqueue_dma source(%parallel_loop3A_366 : memref<1x64xf32, #tpu.memory_space<hbm>>) target(%parallel_loop3A_364 : memref<1x64xf32, #tpu.memory_space<vmem>>) target_semaphore(%arg10 : memref<!tpu.dma_semaphore, #tpu.memory_space<semaphore_mem>>)
      %parallel_loop3A_367 = arith.constant 14 : i32
      %parallel_loop3A_368 = arith.addi %parallel_loop3A_41, %parallel_loop3A_367 : i32
      %parallel_loop3A_369 = arith.constant 0 : i32
      %parallel_loop3A_370 = arith.constant 0 : i32
      %parallel_loop3A_371 = tpu.memref_slice %arg9[%arg1, %parallel_loop3A_369, %parallel_loop3A_370] : memref<16x256x64xf32, #tpu.memory_space<vmem_shared>> -> memref<1x256x64xf32, #tpu.memory_space<vmem_shared>>
      %parallel_loop3A_372 = tpu.memref_squeeze %parallel_loop3A_371 : memref<1x256x64xf32, #tpu.memory_space<vmem_shared>> -> memref<256x64xf32, #tpu.memory_space<vmem_shared>>
      %parallel_loop3A_373 = arith.constant 0 : i32
      %parallel_loop3A_374 = tpu.memref_slice %parallel_loop3A_372[%parallel_loop3A_368, %parallel_loop3A_373] : memref<256x64xf32, #tpu.memory_space<vmem_shared>> -> memref<1x64xf32, #tpu.memory_space<vmem_shared>>
      %parallel_loop3A_375 = arith.constant 0 : i32
      %parallel_loop3A_376 = tpu.memref_slice %arg3[%parallel_loop3A_356, %parallel_loop3A_375] : memref<1000001x64xf32, #tpu.memory_space<hbm>> -> memref<1x64xf32, #tpu.memory_space<hbm>>
      tpu.enqueue_dma source(%parallel_loop3A_376 : memref<1x64xf32, #tpu.memory_space<hbm>>) target(%parallel_loop3A_374 : memref<1x64xf32, #tpu.memory_space<vmem_shared>>) target_semaphore(%arg11 : memref<!tpu.dma_semaphore, #tpu.memory_space<semaphore_mem>>)
      %parallel_loop3A_377 = vector.extract_strided_slice %parallel_loop3A_46 {offsets = [15], sizes = [1], strides = [1]} : vector<16xi32> to vector<1xi32>
      %parallel_loop3A_378 = vector.extract %parallel_loop3A_377[0] : i32 from vector<1xi32>
      %parallel_loop3A_379 = arith.constant 15 : i32
      %parallel_loop3A_380 = arith.addi %parallel_loop3A_41, %parallel_loop3A_379 : i32
      %parallel_loop3A_381 = arith.constant 0 : i32
      %parallel_loop3A_382 = tpu.memref_slice %arg8[%parallel_loop3A_380, %parallel_loop3A_381] : memref<256x64xf32, #tpu.memory_space<vmem>> -> memref<1x64xf32, #tpu.memory_space<vmem>>
      %parallel_loop3A_383 = arith.constant 0 : i32
      %parallel_loop3A_384 = tpu.memref_slice %arg2[%parallel_loop3A_378, %parallel_loop3A_383] : memref<1000001x64xf32, #tpu.memory_space<hbm>> -> memref<1x64xf32, #tpu.memory_space<hbm>>
      %parallel_loop3A_385 = arith.constant 0 : i32
      %parallel_loop3A_386 = tpu.memref_slice %arg8[%parallel_loop3A_380, %parallel_loop3A_385] : memref<256x64xf32, #tpu.memory_space<vmem>> -> memref<1x64xf32, #tpu.memory_space<vmem>>
      %parallel_loop3A_387 = arith.constant 0 : i32
      %parallel_loop3A_388 = tpu.memref_slice %arg2[%parallel_loop3A_378, %parallel_loop3A_387] : memref<1000001x64xf32, #tpu.memory_space<hbm>> -> memref<1x64xf32, #tpu.memory_space<hbm>>
      tpu.enqueue_dma source(%parallel_loop3A_388 : memref<1x64xf32, #tpu.memory_space<hbm>>) target(%parallel_loop3A_386 : memref<1x64xf32, #tpu.memory_space<vmem>>) target_semaphore(%arg10 : memref<!tpu.dma_semaphore, #tpu.memory_space<semaphore_mem>>)
      %parallel_loop3A_389 = arith.constant 15 : i32
      %parallel_loop3A_390 = arith.addi %parallel_loop3A_41, %parallel_loop3A_389 : i32
      %parallel_loop3A_391 = arith.constant 0 : i32
      %parallel_loop3A_392 = arith.constant 0 : i32
      %parallel_loop3A_393 = tpu.memref_slice %arg9[%arg1, %parallel_loop3A_391, %parallel_loop3A_392] : memref<16x256x64xf32, #tpu.memory_space<vmem_shared>> -> memref<1x256x64xf32, #tpu.memory_space<vmem_shared>>
      %parallel_loop3A_394 = tpu.memref_squeeze %parallel_loop3A_393 : memref<1x256x64xf32, #tpu.memory_space<vmem_shared>> -> memref<256x64xf32, #tpu.memory_space<vmem_shared>>
      %parallel_loop3A_395 = arith.constant 0 : i32
      %parallel_loop3A_396 = tpu.memref_slice %parallel_loop3A_394[%parallel_loop3A_390, %parallel_loop3A_395] : memref<256x64xf32, #tpu.memory_space<vmem_shared>> -> memref<1x64xf32, #tpu.memory_space<vmem_shared>>
      %parallel_loop3A_397 = arith.constant 0 : i32
      %parallel_loop3A_398 = tpu.memref_slice %arg3[%parallel_loop3A_378, %parallel_loop3A_397] : memref<1000001x64xf32, #tpu.memory_space<hbm>> -> memref<1x64xf32, #tpu.memory_space<hbm>>
      tpu.enqueue_dma source(%parallel_loop3A_398 : memref<1x64xf32, #tpu.memory_space<hbm>>) target(%parallel_loop3A_396 : memref<1x64xf32, #tpu.memory_space<vmem_shared>>) target_semaphore(%arg11 : memref<!tpu.dma_semaphore, #tpu.memory_space<semaphore_mem>>)
    } {sc.loop_unroll_factor = 1 : i64, sc.parallel_access}
    %dma_wait3A = arith.constant 0 : i32
    %dma_wait3A_5 = arith.constant 0 : i32
    %dma_wait3A_6 = tpu.memref_slice %arg2[%dma_wait3A, %dma_wait3A_5] : memref<1000001x64xf32, #tpu.memory_space<hbm>> -> memref<256x64xf32, #tpu.memory_space<hbm>>
    %dma_wait3A_7 = arith.constant 0 : i32
    %dma_wait3A_8 = arith.constant 0 : i32
    %dma_wait3A_9 = tpu.memref_slice %arg2[%dma_wait3A_7, %dma_wait3A_8] : memref<1000001x64xf32, #tpu.memory_space<hbm>> -> memref<256x64xf32, #tpu.memory_space<hbm>>
    tpu.wait_dma2 semaphore(%arg10 : memref<!tpu.dma_semaphore, #tpu.memory_space<semaphore_mem>>) src(%dma_wait3A_9 : memref<256x64xf32, #tpu.memory_space<hbm>>) dst(%arg8 : memref<256x64xf32, #tpu.memory_space<vmem>>)
    %dma_wait3A_10 = arith.constant 0 : i32
    %dma_wait3A_11 = arith.constant 0 : i32
    %dma_wait3A_12 = tpu.memref_slice %arg9[%arg1, %dma_wait3A_10, %dma_wait3A_11] : memref<16x256x64xf32, #tpu.memory_space<vmem_shared>> -> memref<1x256x64xf32, #tpu.memory_space<vmem_shared>>
    %dma_wait3A_13 = tpu.memref_squeeze %dma_wait3A_12 : memref<1x256x64xf32, #tpu.memory_space<vmem_shared>> -> memref<256x64xf32, #tpu.memory_space<vmem_shared>>
    %dma_wait3A_14 = arith.constant 0 : i32
    %dma_wait3A_15 = arith.constant 0 : i32
    %dma_wait3A_16 = tpu.memref_slice %arg3[%dma_wait3A_14, %dma_wait3A_15] : memref<1000001x64xf32, #tpu.memory_space<hbm>> -> memref<256x64xf32, #tpu.memory_space<hbm>>
    tpu.wait_dma2 semaphore(%arg11 : memref<!tpu.dma_semaphore, #tpu.memory_space<semaphore_mem>>) src(%dma_wait3A_16 : memref<256x64xf32, #tpu.memory_space<hbm>>) dst(%dma_wait3A_13 : memref<256x64xf32, #tpu.memory_space<vmem_shared>>)
    %add3A_17 = arith.constant 0 : i32
    %add3A_18 = arith.addi %mul3A_2, %add3A_17 : i32
    "tpu.region"() ({
      %run_scoped3A = tpu.sem_alloc : memref<!tpu.dma_semaphore, #tpu.memory_space<semaphore_mem>>
      %dma_start3A = arith.constant 0 : i32
      %dma_start3A_41 = tpu.memref_slice %arg5[%add3A_18, %dma_start3A] : memref<16384x64xf32, #tpu.memory_space<hbm>> -> memref<256x64xf32, #tpu.memory_space<hbm>>
      %dma_start3A_42 = arith.constant 0 : i32
      %dma_start3A_43 = tpu.memref_slice %arg5[%add3A_18, %dma_start3A_42] : memref<16384x64xf32, #tpu.memory_space<hbm>> -> memref<256x64xf32, #tpu.memory_space<hbm>>
      tpu.enqueue_dma source(%arg8 : memref<256x64xf32, #tpu.memory_space<vmem>>) target(%dma_start3A_43 : memref<256x64xf32, #tpu.memory_space<hbm>>) target_semaphore(%run_scoped3A : memref<!tpu.dma_semaphore, #tpu.memory_space<semaphore_mem>>)
      %dma_wait3A_44 = arith.constant 0 : i32
      %dma_wait3A_45 = tpu.memref_slice %arg5[%add3A_18, %dma_wait3A_44] : memref<16384x64xf32, #tpu.memory_space<hbm>> -> memref<256x64xf32, #tpu.memory_space<hbm>>
      %dma_wait3A_46 = arith.constant 0 : i32
      %dma_wait3A_47 = tpu.memref_slice %arg5[%add3A_18, %dma_wait3A_46] : memref<16384x64xf32, #tpu.memory_space<hbm>> -> memref<256x64xf32, #tpu.memory_space<hbm>>
      tpu.wait_dma2 semaphore(%run_scoped3A : memref<!tpu.dma_semaphore, #tpu.memory_space<semaphore_mem>>) src(%arg8 : memref<256x64xf32, #tpu.memory_space<vmem>>) dst(%dma_wait3A_47 : memref<256x64xf32, #tpu.memory_space<hbm>>)
      tpu.yield
    }) : () -> ()
    %add3A_19 = arith.constant 0 : i32
    %add3A_20 = arith.addi %mul3A_2, %add3A_19 : i32
    "tpu.region"() ({
      %run_scoped3A = tpu.sem_alloc : memref<!tpu.dma_semaphore, #tpu.memory_space<semaphore_mem>>
      %dma_start3A = arith.constant 0 : i32
      %dma_start3A_41 = tpu.memref_slice %arg6[%add3A_20, %dma_start3A] : memref<16384x64xf32, #tpu.memory_space<hbm>> -> memref<256x64xf32, #tpu.memory_space<hbm>>
      %dma_start3A_42 = arith.constant 0 : i32
      %dma_start3A_43 = arith.constant 0 : i32
      %dma_start3A_44 = tpu.memref_slice %arg9[%arg1, %dma_start3A_42, %dma_start3A_43] : memref<16x256x64xf32, #tpu.memory_space<vmem_shared>> -> memref<1x256x64xf32, #tpu.memory_space<vmem_shared>>
      %dma_start3A_45 = tpu.memref_squeeze %dma_start3A_44 : memref<1x256x64xf32, #tpu.memory_space<vmem_shared>> -> memref<256x64xf32, #tpu.memory_space<vmem_shared>>
      tpu.enqueue_dma source(%dma_start3A_45 : memref<256x64xf32, #tpu.memory_space<vmem_shared>>) target(%dma_start3A_41 : memref<256x64xf32, #tpu.memory_space<hbm>>) target_semaphore(%run_scoped3A : memref<!tpu.dma_semaphore, #tpu.memory_space<semaphore_mem>>)
      %dma_wait3A_46 = arith.constant 0 : i32
      %dma_wait3A_47 = tpu.memref_slice %arg6[%add3A_20, %dma_wait3A_46] : memref<16384x64xf32, #tpu.memory_space<hbm>> -> memref<256x64xf32, #tpu.memory_space<hbm>>
      %dma_wait3A_48 = arith.constant 0 : i32
      %dma_wait3A_49 = arith.constant 0 : i32
      %dma_wait3A_50 = tpu.memref_slice %arg9[%arg1, %dma_wait3A_48, %dma_wait3A_49] : memref<16x256x64xf32, #tpu.memory_space<vmem_shared>> -> memref<1x256x64xf32, #tpu.memory_space<vmem_shared>>
      %dma_wait3A_51 = tpu.memref_squeeze %dma_wait3A_50 : memref<1x256x64xf32, #tpu.memory_space<vmem_shared>> -> memref<256x64xf32, #tpu.memory_space<vmem_shared>>
      tpu.wait_dma2 semaphore(%run_scoped3A : memref<!tpu.dma_semaphore, #tpu.memory_space<semaphore_mem>>) src(%dma_wait3A_51 : memref<256x64xf32, #tpu.memory_space<vmem_shared>>) dst(%dma_wait3A_47 : memref<256x64xf32, #tpu.memory_space<hbm>>)
      tpu.yield
    }) : () -> ()
    %parallel_loop3A_21 = arith.constant 0 : i32
    %parallel_loop3A_22 = arith.constant 256 : i32
    %parallel_loop3A_23 = arith.constant 16 : i32
    scf.for %parallel_loop3A_41 = %parallel_loop3A_21 to %parallel_loop3A_22 step %parallel_loop3A_23  : i32 {
      %parallel_loop3A_42 = arith.constant 256 : i32
      %parallel_loop3A_43 = arith.addi %parallel_loop3A_42, %parallel_loop3A_41 : i32
      %parallel_loop3A_44 = arith.index_cast %parallel_loop3A_43 : i32 to index
      %parallel_loop3A_45 = tpu.vector_load %arg7[%parallel_loop3A_44] {strides = array<i32>} : memref<512xi32, #tpu.memory_space<vmem>>, vector<16xi32>,
      %parallel_loop3A_46 = vector.shape_cast %parallel_loop3A_45 : vector<16xi32> to vector<16xi32>
      %parallel_loop3A_47 = vector.extract_strided_slice %parallel_loop3A_46 {offsets = [0], sizes = [1], strides = [1]} : vector<16xi32> to vector<1xi32>
      %parallel_loop3A_48 = vector.extract %parallel_loop3A_47[0] : i32 from vector<1xi32>
      %parallel_loop3A_49 = arith.constant 0 : i32
      %parallel_loop3A_50 = arith.addi %parallel_loop3A_41, %parallel_loop3A_49 : i32
      %parallel_loop3A_51 = arith.constant 0 : i32
      %parallel_loop3A_52 = tpu.memref_slice %arg8[%parallel_loop3A_50, %parallel_loop3A_51] : memref<256x64xf32, #tpu.memory_space<vmem>> -> memref<1x64xf32, #tpu.memory_space<vmem>>
      %parallel_loop3A_53 = arith.constant 0 : i32
      %parallel_loop3A_54 = tpu.memref_slice %arg2[%parallel_loop3A_48, %parallel_loop3A_53] : memref<1000001x64xf32, #tpu.memory_space<hbm>> -> memref<1x64xf32, #tpu.memory_space<hbm>>
      %parallel_loop3A_55 = arith.constant 0 : i32
      %parallel_loop3A_56 = tpu.memref_slice %arg8[%parallel_loop3A_50, %parallel_loop3A_55] : memref<256x64xf32, #tpu.memory_space<vmem>> -> memref<1x64xf32, #tpu.memory_space<vmem>>
      %parallel_loop3A_57 = arith.constant 0 : i32
      %parallel_loop3A_58 = tpu.memref_slice %arg2[%parallel_loop3A_48, %parallel_loop3A_57] : memref<1000001x64xf32, #tpu.memory_space<hbm>> -> memref<1x64xf32, #tpu.memory_space<hbm>>
      tpu.enqueue_dma source(%parallel_loop3A_58 : memref<1x64xf32, #tpu.memory_space<hbm>>) target(%parallel_loop3A_56 : memref<1x64xf32, #tpu.memory_space<vmem>>) target_semaphore(%arg10 : memref<!tpu.dma_semaphore, #tpu.memory_space<semaphore_mem>>)
      %parallel_loop3A_59 = arith.constant 0 : i32
      %parallel_loop3A_60 = arith.addi %parallel_loop3A_41, %parallel_loop3A_59 : i32
      %parallel_loop3A_61 = arith.constant 0 : i32
      %parallel_loop3A_62 = arith.constant 0 : i32
      %parallel_loop3A_63 = tpu.memref_slice %arg9[%arg1, %parallel_loop3A_61, %parallel_loop3A_62] : memref<16x256x64xf32, #tpu.memory_space<vmem_shared>> -> memref<1x256x64xf32, #tpu.memory_space<vmem_shared>>
      %parallel_loop3A_64 = tpu.memref_squeeze %parallel_loop3A_63 : memref<1x256x64xf32, #tpu.memory_space<vmem_shared>> -> memref<256x64xf32, #tpu.memory_space<vmem_shared>>
      %parallel_loop3A_65 = arith.constant 0 : i32
      %parallel_loop3A_66 = tpu.memref_slice %parallel_loop3A_64[%parallel_loop3A_60, %parallel_loop3A_65] : memref<256x64xf32, #tpu.memory_space<vmem_shared>> -> memref<1x64xf32, #tpu.memory_space<vmem_shared>>
      %parallel_loop3A_67 = arith.constant 0 : i32
      %parallel_loop3A_68 = tpu.memref_slice %arg3[%parallel_loop3A_48, %parallel_loop3A_67] : memref<1000001x64xf32, #tpu.memory_space<hbm>> -> memref<1x64xf32, #tpu.memory_space<hbm>>
      tpu.enqueue_dma source(%parallel_loop3A_68 : memref<1x64xf32, #tpu.memory_space<hbm>>) target(%parallel_loop3A_66 : memref<1x64xf32, #tpu.memory_space<vmem_shared>>) target_semaphore(%arg11 : memref<!tpu.dma_semaphore, #tpu.memory_space<semaphore_mem>>)
      %parallel_loop3A_69 = vector.extract_strided_slice %parallel_loop3A_46 {offsets = [1], sizes = [1], strides = [1]} : vector<16xi32> to vector<1xi32>
      %parallel_loop3A_70 = vector.extract %parallel_loop3A_69[0] : i32 from vector<1xi32>
      %parallel_loop3A_71 = arith.constant 1 : i32
      %parallel_loop3A_72 = arith.addi %parallel_loop3A_41, %parallel_loop3A_71 : i32
      %parallel_loop3A_73 = arith.constant 0 : i32
      %parallel_loop3A_74 = tpu.memref_slice %arg8[%parallel_loop3A_72, %parallel_loop3A_73] : memref<256x64xf32, #tpu.memory_space<vmem>> -> memref<1x64xf32, #tpu.memory_space<vmem>>
      %parallel_loop3A_75 = arith.constant 0 : i32
      %parallel_loop3A_76 = tpu.memref_slice %arg2[%parallel_loop3A_70, %parallel_loop3A_75] : memref<1000001x64xf32, #tpu.memory_space<hbm>> -> memref<1x64xf32, #tpu.memory_space<hbm>>
      %parallel_loop3A_77 = arith.constant 0 : i32
      %parallel_loop3A_78 = tpu.memref_slice %arg8[%parallel_loop3A_72, %parallel_loop3A_77] : memref<256x64xf32, #tpu.memory_space<vmem>> -> memref<1x64xf32, #tpu.memory_space<vmem>>
      %parallel_loop3A_79 = arith.constant 0 : i32
      %parallel_loop3A_80 = tpu.memref_slice %arg2[%parallel_loop3A_70, %parallel_loop3A_79] : memref<1000001x64xf32, #tpu.memory_space<hbm>> -> memref<1x64xf32, #tpu.memory_space<hbm>>
      tpu.enqueue_dma source(%parallel_loop3A_80 : memref<1x64xf32, #tpu.memory_space<hbm>>) target(%parallel_loop3A_78 : memref<1x64xf32, #tpu.memory_space<vmem>>) target_semaphore(%arg10 : memref<!tpu.dma_semaphore, #tpu.memory_space<semaphore_mem>>)
      %parallel_loop3A_81 = arith.constant 1 : i32
      %parallel_loop3A_82 = arith.addi %parallel_loop3A_41, %parallel_loop3A_81 : i32
      %parallel_loop3A_83 = arith.constant 0 : i32
      %parallel_loop3A_84 = arith.constant 0 : i32
      %parallel_loop3A_85 = tpu.memref_slice %arg9[%arg1, %parallel_loop3A_83, %parallel_loop3A_84] : memref<16x256x64xf32, #tpu.memory_space<vmem_shared>> -> memref<1x256x64xf32, #tpu.memory_space<vmem_shared>>
      %parallel_loop3A_86 = tpu.memref_squeeze %parallel_loop3A_85 : memref<1x256x64xf32, #tpu.memory_space<vmem_shared>> -> memref<256x64xf32, #tpu.memory_space<vmem_shared>>
      %parallel_loop3A_87 = arith.constant 0 : i32
      %parallel_loop3A_88 = tpu.memref_slice %parallel_loop3A_86[%parallel_loop3A_82, %parallel_loop3A_87] : memref<256x64xf32, #tpu.memory_space<vmem_shared>> -> memref<1x64xf32, #tpu.memory_space<vmem_shared>>
      %parallel_loop3A_89 = arith.constant 0 : i32
      %parallel_loop3A_90 = tpu.memref_slice %arg3[%parallel_loop3A_70, %parallel_loop3A_89] : memref<1000001x64xf32, #tpu.memory_space<hbm>> -> memref<1x64xf32, #tpu.memory_space<hbm>>
      tpu.enqueue_dma source(%parallel_loop3A_90 : memref<1x64xf32, #tpu.memory_space<hbm>>) target(%parallel_loop3A_88 : memref<1x64xf32, #tpu.memory_space<vmem_shared>>) target_semaphore(%arg11 : memref<!tpu.dma_semaphore, #tpu.memory_space<semaphore_mem>>)
      %parallel_loop3A_91 = vector.extract_strided_slice %parallel_loop3A_46 {offsets = [2], sizes = [1], strides = [1]} : vector<16xi32> to vector<1xi32>
      %parallel_loop3A_92 = vector.extract %parallel_loop3A_91[0] : i32 from vector<1xi32>
      %parallel_loop3A_93 = arith.constant 2 : i32
      %parallel_loop3A_94 = arith.addi %parallel_loop3A_41, %parallel_loop3A_93 : i32
      %parallel_loop3A_95 = arith.constant 0 : i32
      %parallel_loop3A_96 = tpu.memref_slice %arg8[%parallel_loop3A_94, %parallel_loop3A_95] : memref<256x64xf32, #tpu.memory_space<vmem>> -> memref<1x64xf32, #tpu.memory_space<vmem>>
      %parallel_loop3A_97 = arith.constant 0 : i32
      %parallel_loop3A_98 = tpu.memref_slice %arg2[%parallel_loop3A_92, %parallel_loop3A_97] : memref<1000001x64xf32, #tpu.memory_space<hbm>> -> memref<1x64xf32, #tpu.memory_space<hbm>>
      %parallel_loop3A_99 = arith.constant 0 : i32
      %parallel_loop3A_100 = tpu.memref_slice %arg8[%parallel_loop3A_94, %parallel_loop3A_99] : memref<256x64xf32, #tpu.memory_space<vmem>> -> memref<1x64xf32, #tpu.memory_space<vmem>>
      %parallel_loop3A_101 = arith.constant 0 : i32
      %parallel_loop3A_102 = tpu.memref_slice %arg2[%parallel_loop3A_92, %parallel_loop3A_101] : memref<1000001x64xf32, #tpu.memory_space<hbm>> -> memref<1x64xf32, #tpu.memory_space<hbm>>
      tpu.enqueue_dma source(%parallel_loop3A_102 : memref<1x64xf32, #tpu.memory_space<hbm>>) target(%parallel_loop3A_100 : memref<1x64xf32, #tpu.memory_space<vmem>>) target_semaphore(%arg10 : memref<!tpu.dma_semaphore, #tpu.memory_space<semaphore_mem>>)
      %parallel_loop3A_103 = arith.constant 2 : i32
      %parallel_loop3A_104 = arith.addi %parallel_loop3A_41, %parallel_loop3A_103 : i32
      %parallel_loop3A_105 = arith.constant 0 : i32
      %parallel_loop3A_106 = arith.constant 0 : i32
      %parallel_loop3A_107 = tpu.memref_slice %arg9[%arg1, %parallel_loop3A_105, %parallel_loop3A_106] : memref<16x256x64xf32, #tpu.memory_space<vmem_shared>> -> memref<1x256x64xf32, #tpu.memory_space<vmem_shared>>
      %parallel_loop3A_108 = tpu.memref_squeeze %parallel_loop3A_107 : memref<1x256x64xf32, #tpu.memory_space<vmem_shared>> -> memref<256x64xf32, #tpu.memory_space<vmem_shared>>
      %parallel_loop3A_109 = arith.constant 0 : i32
      %parallel_loop3A_110 = tpu.memref_slice %parallel_loop3A_108[%parallel_loop3A_104, %parallel_loop3A_109] : memref<256x64xf32, #tpu.memory_space<vmem_shared>> -> memref<1x64xf32, #tpu.memory_space<vmem_shared>>
      %parallel_loop3A_111 = arith.constant 0 : i32
      %parallel_loop3A_112 = tpu.memref_slice %arg3[%parallel_loop3A_92, %parallel_loop3A_111] : memref<1000001x64xf32, #tpu.memory_space<hbm>> -> memref<1x64xf32, #tpu.memory_space<hbm>>
      tpu.enqueue_dma source(%parallel_loop3A_112 : memref<1x64xf32, #tpu.memory_space<hbm>>) target(%parallel_loop3A_110 : memref<1x64xf32, #tpu.memory_space<vmem_shared>>) target_semaphore(%arg11 : memref<!tpu.dma_semaphore, #tpu.memory_space<semaphore_mem>>)
      %parallel_loop3A_113 = vector.extract_strided_slice %parallel_loop3A_46 {offsets = [3], sizes = [1], strides = [1]} : vector<16xi32> to vector<1xi32>
      %parallel_loop3A_114 = vector.extract %parallel_loop3A_113[0] : i32 from vector<1xi32>
      %parallel_loop3A_115 = arith.constant 3 : i32
      %parallel_loop3A_116 = arith.addi %parallel_loop3A_41, %parallel_loop3A_115 : i32
      %parallel_loop3A_117 = arith.constant 0 : i32
      %parallel_loop3A_118 = tpu.memref_slice %arg8[%parallel_loop3A_116, %parallel_loop3A_117] : memref<256x64xf32, #tpu.memory_space<vmem>> -> memref<1x64xf32, #tpu.memory_space<vmem>>
      %parallel_loop3A_119 = arith.constant 0 : i32
      %parallel_loop3A_120 = tpu.memref_slice %arg2[%parallel_loop3A_114, %parallel_loop3A_119] : memref<1000001x64xf32, #tpu.memory_space<hbm>> -> memref<1x64xf32, #tpu.memory_space<hbm>>
      %parallel_loop3A_121 = arith.constant 0 : i32
      %parallel_loop3A_122 = tpu.memref_slice %arg8[%parallel_loop3A_116, %parallel_loop3A_121] : memref<256x64xf32, #tpu.memory_space<vmem>> -> memref<1x64xf32, #tpu.memory_space<vmem>>
      %parallel_loop3A_123 = arith.constant 0 : i32
      %parallel_loop3A_124 = tpu.memref_slice %arg2[%parallel_loop3A_114, %parallel_loop3A_123] : memref<1000001x64xf32, #tpu.memory_space<hbm>> -> memref<1x64xf32, #tpu.memory_space<hbm>>
      tpu.enqueue_dma source(%parallel_loop3A_124 : memref<1x64xf32, #tpu.memory_space<hbm>>) target(%parallel_loop3A_122 : memref<1x64xf32, #tpu.memory_space<vmem>>) target_semaphore(%arg10 : memref<!tpu.dma_semaphore, #tpu.memory_space<semaphore_mem>>)
      %parallel_loop3A_125 = arith.constant 3 : i32
      %parallel_loop3A_126 = arith.addi %parallel_loop3A_41, %parallel_loop3A_125 : i32
      %parallel_loop3A_127 = arith.constant 0 : i32
      %parallel_loop3A_128 = arith.constant 0 : i32
      %parallel_loop3A_129 = tpu.memref_slice %arg9[%arg1, %parallel_loop3A_127, %parallel_loop3A_128] : memref<16x256x64xf32, #tpu.memory_space<vmem_shared>> -> memref<1x256x64xf32, #tpu.memory_space<vmem_shared>>
      %parallel_loop3A_130 = tpu.memref_squeeze %parallel_loop3A_129 : memref<1x256x64xf32, #tpu.memory_space<vmem_shared>> -> memref<256x64xf32, #tpu.memory_space<vmem_shared>>
      %parallel_loop3A_131 = arith.constant 0 : i32
      %parallel_loop3A_132 = tpu.memref_slice %parallel_loop3A_130[%parallel_loop3A_126, %parallel_loop3A_131] : memref<256x64xf32, #tpu.memory_space<vmem_shared>> -> memref<1x64xf32, #tpu.memory_space<vmem_shared>>
      %parallel_loop3A_133 = arith.constant 0 : i32
      %parallel_loop3A_134 = tpu.memref_slice %arg3[%parallel_loop3A_114, %parallel_loop3A_133] : memref<1000001x64xf32, #tpu.memory_space<hbm>> -> memref<1x64xf32, #tpu.memory_space<hbm>>
      tpu.enqueue_dma source(%parallel_loop3A_134 : memref<1x64xf32, #tpu.memory_space<hbm>>) target(%parallel_loop3A_132 : memref<1x64xf32, #tpu.memory_space<vmem_shared>>) target_semaphore(%arg11 : memref<!tpu.dma_semaphore, #tpu.memory_space<semaphore_mem>>)
      %parallel_loop3A_135 = vector.extract_strided_slice %parallel_loop3A_46 {offsets = [4], sizes = [1], strides = [1]} : vector<16xi32> to vector<1xi32>
      %parallel_loop3A_136 = vector.extract %parallel_loop3A_135[0] : i32 from vector<1xi32>
      %parallel_loop3A_137 = arith.constant 4 : i32
      %parallel_loop3A_138 = arith.addi %parallel_loop3A_41, %parallel_loop3A_137 : i32
      %parallel_loop3A_139 = arith.constant 0 : i32
      %parallel_loop3A_140 = tpu.memref_slice %arg8[%parallel_loop3A_138, %parallel_loop3A_139] : memref<256x64xf32, #tpu.memory_space<vmem>> -> memref<1x64xf32, #tpu.memory_space<vmem>>
      %parallel_loop3A_141 = arith.constant 0 : i32
      %parallel_loop3A_142 = tpu.memref_slice %arg2[%parallel_loop3A_136, %parallel_loop3A_141] : memref<1000001x64xf32, #tpu.memory_space<hbm>> -> memref<1x64xf32, #tpu.memory_space<hbm>>
      %parallel_loop3A_143 = arith.constant 0 : i32
      %parallel_loop3A_144 = tpu.memref_slice %arg8[%parallel_loop3A_138, %parallel_loop3A_143] : memref<256x64xf32, #tpu.memory_space<vmem>> -> memref<1x64xf32, #tpu.memory_space<vmem>>
      %parallel_loop3A_145 = arith.constant 0 : i32
      %parallel_loop3A_146 = tpu.memref_slice %arg2[%parallel_loop3A_136, %parallel_loop3A_145] : memref<1000001x64xf32, #tpu.memory_space<hbm>> -> memref<1x64xf32, #tpu.memory_space<hbm>>
      tpu.enqueue_dma source(%parallel_loop3A_146 : memref<1x64xf32, #tpu.memory_space<hbm>>) target(%parallel_loop3A_144 : memref<1x64xf32, #tpu.memory_space<vmem>>) target_semaphore(%arg10 : memref<!tpu.dma_semaphore, #tpu.memory_space<semaphore_mem>>)
      %parallel_loop3A_147 = arith.constant 4 : i32
      %parallel_loop3A_148 = arith.addi %parallel_loop3A_41, %parallel_loop3A_147 : i32
      %parallel_loop3A_149 = arith.constant 0 : i32
      %parallel_loop3A_150 = arith.constant 0 : i32
      %parallel_loop3A_151 = tpu.memref_slice %arg9[%arg1, %parallel_loop3A_149, %parallel_loop3A_150] : memref<16x256x64xf32, #tpu.memory_space<vmem_shared>> -> memref<1x256x64xf32, #tpu.memory_space<vmem_shared>>
      %parallel_loop3A_152 = tpu.memref_squeeze %parallel_loop3A_151 : memref<1x256x64xf32, #tpu.memory_space<vmem_shared>> -> memref<256x64xf32, #tpu.memory_space<vmem_shared>>
      %parallel_loop3A_153 = arith.constant 0 : i32
      %parallel_loop3A_154 = tpu.memref_slice %parallel_loop3A_152[%parallel_loop3A_148, %parallel_loop3A_153] : memref<256x64xf32, #tpu.memory_space<vmem_shared>> -> memref<1x64xf32, #tpu.memory_space<vmem_shared>>
      %parallel_loop3A_155 = arith.constant 0 : i32
      %parallel_loop3A_156 = tpu.memref_slice %arg3[%parallel_loop3A_136, %parallel_loop3A_155] : memref<1000001x64xf32, #tpu.memory_space<hbm>> -> memref<1x64xf32, #tpu.memory_space<hbm>>
      tpu.enqueue_dma source(%parallel_loop3A_156 : memref<1x64xf32, #tpu.memory_space<hbm>>) target(%parallel_loop3A_154 : memref<1x64xf32, #tpu.memory_space<vmem_shared>>) target_semaphore(%arg11 : memref<!tpu.dma_semaphore, #tpu.memory_space<semaphore_mem>>)
      %parallel_loop3A_157 = vector.extract_strided_slice %parallel_loop3A_46 {offsets = [5], sizes = [1], strides = [1]} : vector<16xi32> to vector<1xi32>
      %parallel_loop3A_158 = vector.extract %parallel_loop3A_157[0] : i32 from vector<1xi32>
      %parallel_loop3A_159 = arith.constant 5 : i32
      %parallel_loop3A_160 = arith.addi %parallel_loop3A_41, %parallel_loop3A_159 : i32
      %parallel_loop3A_161 = arith.constant 0 : i32
      %parallel_loop3A_162 = tpu.memref_slice %arg8[%parallel_loop3A_160, %parallel_loop3A_161] : memref<256x64xf32, #tpu.memory_space<vmem>> -> memref<1x64xf32, #tpu.memory_space<vmem>>
      %parallel_loop3A_163 = arith.constant 0 : i32
      %parallel_loop3A_164 = tpu.memref_slice %arg2[%parallel_loop3A_158, %parallel_loop3A_163] : memref<1000001x64xf32, #tpu.memory_space<hbm>> -> memref<1x64xf32, #tpu.memory_space<hbm>>
      %parallel_loop3A_165 = arith.constant 0 : i32
      %parallel_loop3A_166 = tpu.memref_slice %arg8[%parallel_loop3A_160, %parallel_loop3A_165] : memref<256x64xf32, #tpu.memory_space<vmem>> -> memref<1x64xf32, #tpu.memory_space<vmem>>
      %parallel_loop3A_167 = arith.constant 0 : i32
      %parallel_loop3A_168 = tpu.memref_slice %arg2[%parallel_loop3A_158, %parallel_loop3A_167] : memref<1000001x64xf32, #tpu.memory_space<hbm>> -> memref<1x64xf32, #tpu.memory_space<hbm>>
      tpu.enqueue_dma source(%parallel_loop3A_168 : memref<1x64xf32, #tpu.memory_space<hbm>>) target(%parallel_loop3A_166 : memref<1x64xf32, #tpu.memory_space<vmem>>) target_semaphore(%arg10 : memref<!tpu.dma_semaphore, #tpu.memory_space<semaphore_mem>>)
      %parallel_loop3A_169 = arith.constant 5 : i32
      %parallel_loop3A_170 = arith.addi %parallel_loop3A_41, %parallel_loop3A_169 : i32
      %parallel_loop3A_171 = arith.constant 0 : i32
      %parallel_loop3A_172 = arith.constant 0 : i32
      %parallel_loop3A_173 = tpu.memref_slice %arg9[%arg1, %parallel_loop3A_171, %parallel_loop3A_172] : memref<16x256x64xf32, #tpu.memory_space<vmem_shared>> -> memref<1x256x64xf32, #tpu.memory_space<vmem_shared>>
      %parallel_loop3A_174 = tpu.memref_squeeze %parallel_loop3A_173 : memref<1x256x64xf32, #tpu.memory_space<vmem_shared>> -> memref<256x64xf32, #tpu.memory_space<vmem_shared>>
      %parallel_loop3A_175 = arith.constant 0 : i32
      %parallel_loop3A_176 = tpu.memref_slice %parallel_loop3A_174[%parallel_loop3A_170, %parallel_loop3A_175] : memref<256x64xf32, #tpu.memory_space<vmem_shared>> -> memref<1x64xf32, #tpu.memory_space<vmem_shared>>
      %parallel_loop3A_177 = arith.constant 0 : i32
      %parallel_loop3A_178 = tpu.memref_slice %arg3[%parallel_loop3A_158, %parallel_loop3A_177] : memref<1000001x64xf32, #tpu.memory_space<hbm>> -> memref<1x64xf32, #tpu.memory_space<hbm>>
      tpu.enqueue_dma source(%parallel_loop3A_178 : memref<1x64xf32, #tpu.memory_space<hbm>>) target(%parallel_loop3A_176 : memref<1x64xf32, #tpu.memory_space<vmem_shared>>) target_semaphore(%arg11 : memref<!tpu.dma_semaphore, #tpu.memory_space<semaphore_mem>>)
      %parallel_loop3A_179 = vector.extract_strided_slice %parallel_loop3A_46 {offsets = [6], sizes = [1], strides = [1]} : vector<16xi32> to vector<1xi32>
      %parallel_loop3A_180 = vector.extract %parallel_loop3A_179[0] : i32 from vector<1xi32>
      %parallel_loop3A_181 = arith.constant 6 : i32
      %parallel_loop3A_182 = arith.addi %parallel_loop3A_41, %parallel_loop3A_181 : i32
      %parallel_loop3A_183 = arith.constant 0 : i32
      %parallel_loop3A_184 = tpu.memref_slice %arg8[%parallel_loop3A_182, %parallel_loop3A_183] : memref<256x64xf32, #tpu.memory_space<vmem>> -> memref<1x64xf32, #tpu.memory_space<vmem>>
      %parallel_loop3A_185 = arith.constant 0 : i32
      %parallel_loop3A_186 = tpu.memref_slice %arg2[%parallel_loop3A_180, %parallel_loop3A_185] : memref<1000001x64xf32, #tpu.memory_space<hbm>> -> memref<1x64xf32, #tpu.memory_space<hbm>>
      %parallel_loop3A_187 = arith.constant 0 : i32
      %parallel_loop3A_188 = tpu.memref_slice %arg8[%parallel_loop3A_182, %parallel_loop3A_187] : memref<256x64xf32, #tpu.memory_space<vmem>> -> memref<1x64xf32, #tpu.memory_space<vmem>>
      %parallel_loop3A_189 = arith.constant 0 : i32
      %parallel_loop3A_190 = tpu.memref_slice %arg2[%parallel_loop3A_180, %parallel_loop3A_189] : memref<1000001x64xf32, #tpu.memory_space<hbm>> -> memref<1x64xf32, #tpu.memory_space<hbm>>
      tpu.enqueue_dma source(%parallel_loop3A_190 : memref<1x64xf32, #tpu.memory_space<hbm>>) target(%parallel_loop3A_188 : memref<1x64xf32, #tpu.memory_space<vmem>>) target_semaphore(%arg10 : memref<!tpu.dma_semaphore, #tpu.memory_space<semaphore_mem>>)
      %parallel_loop3A_191 = arith.constant 6 : i32
      %parallel_loop3A_192 = arith.addi %parallel_loop3A_41, %parallel_loop3A_191 : i32
      %parallel_loop3A_193 = arith.constant 0 : i32
      %parallel_loop3A_194 = arith.constant 0 : i32
      %parallel_loop3A_195 = tpu.memref_slice %arg9[%arg1, %parallel_loop3A_193, %parallel_loop3A_194] : memref<16x256x64xf32, #tpu.memory_space<vmem_shared>> -> memref<1x256x64xf32, #tpu.memory_space<vmem_shared>>
      %parallel_loop3A_196 = tpu.memref_squeeze %parallel_loop3A_195 : memref<1x256x64xf32, #tpu.memory_space<vmem_shared>> -> memref<256x64xf32, #tpu.memory_space<vmem_shared>>
      %parallel_loop3A_197 = arith.constant 0 : i32
      %parallel_loop3A_198 = tpu.memref_slice %parallel_loop3A_196[%parallel_loop3A_192, %parallel_loop3A_197] : memref<256x64xf32, #tpu.memory_space<vmem_shared>> -> memref<1x64xf32, #tpu.memory_space<vmem_shared>>
      %parallel_loop3A_199 = arith.constant 0 : i32
      %parallel_loop3A_200 = tpu.memref_slice %arg3[%parallel_loop3A_180, %parallel_loop3A_199] : memref<1000001x64xf32, #tpu.memory_space<hbm>> -> memref<1x64xf32, #tpu.memory_space<hbm>>
      tpu.enqueue_dma source(%parallel_loop3A_200 : memref<1x64xf32, #tpu.memory_space<hbm>>) target(%parallel_loop3A_198 : memref<1x64xf32, #tpu.memory_space<vmem_shared>>) target_semaphore(%arg11 : memref<!tpu.dma_semaphore, #tpu.memory_space<semaphore_mem>>)
      %parallel_loop3A_201 = vector.extract_strided_slice %parallel_loop3A_46 {offsets = [7], sizes = [1], strides = [1]} : vector<16xi32> to vector<1xi32>
      %parallel_loop3A_202 = vector.extract %parallel_loop3A_201[0] : i32 from vector<1xi32>
      %parallel_loop3A_203 = arith.constant 7 : i32
      %parallel_loop3A_204 = arith.addi %parallel_loop3A_41, %parallel_loop3A_203 : i32
      %parallel_loop3A_205 = arith.constant 0 : i32
      %parallel_loop3A_206 = tpu.memref_slice %arg8[%parallel_loop3A_204, %parallel_loop3A_205] : memref<256x64xf32, #tpu.memory_space<vmem>> -> memref<1x64xf32, #tpu.memory_space<vmem>>
      %parallel_loop3A_207 = arith.constant 0 : i32
      %parallel_loop3A_208 = tpu.memref_slice %arg2[%parallel_loop3A_202, %parallel_loop3A_207] : memref<1000001x64xf32, #tpu.memory_space<hbm>> -> memref<1x64xf32, #tpu.memory_space<hbm>>
      %parallel_loop3A_209 = arith.constant 0 : i32
      %parallel_loop3A_210 = tpu.memref_slice %arg8[%parallel_loop3A_204, %parallel_loop3A_209] : memref<256x64xf32, #tpu.memory_space<vmem>> -> memref<1x64xf32, #tpu.memory_space<vmem>>
      %parallel_loop3A_211 = arith.constant 0 : i32
      %parallel_loop3A_212 = tpu.memref_slice %arg2[%parallel_loop3A_202, %parallel_loop3A_211] : memref<1000001x64xf32, #tpu.memory_space<hbm>> -> memref<1x64xf32, #tpu.memory_space<hbm>>
      tpu.enqueue_dma source(%parallel_loop3A_212 : memref<1x64xf32, #tpu.memory_space<hbm>>) target(%parallel_loop3A_210 : memref<1x64xf32, #tpu.memory_space<vmem>>) target_semaphore(%arg10 : memref<!tpu.dma_semaphore, #tpu.memory_space<semaphore_mem>>)
      %parallel_loop3A_213 = arith.constant 7 : i32
      %parallel_loop3A_214 = arith.addi %parallel_loop3A_41, %parallel_loop3A_213 : i32
      %parallel_loop3A_215 = arith.constant 0 : i32
      %parallel_loop3A_216 = arith.constant 0 : i32
      %parallel_loop3A_217 = tpu.memref_slice %arg9[%arg1, %parallel_loop3A_215, %parallel_loop3A_216] : memref<16x256x64xf32, #tpu.memory_space<vmem_shared>> -> memref<1x256x64xf32, #tpu.memory_space<vmem_shared>>
      %parallel_loop3A_218 = tpu.memref_squeeze %parallel_loop3A_217 : memref<1x256x64xf32, #tpu.memory_space<vmem_shared>> -> memref<256x64xf32, #tpu.memory_space<vmem_shared>>
      %parallel_loop3A_219 = arith.constant 0 : i32
      %parallel_loop3A_220 = tpu.memref_slice %parallel_loop3A_218[%parallel_loop3A_214, %parallel_loop3A_219] : memref<256x64xf32, #tpu.memory_space<vmem_shared>> -> memref<1x64xf32, #tpu.memory_space<vmem_shared>>
      %parallel_loop3A_221 = arith.constant 0 : i32
      %parallel_loop3A_222 = tpu.memref_slice %arg3[%parallel_loop3A_202, %parallel_loop3A_221] : memref<1000001x64xf32, #tpu.memory_space<hbm>> -> memref<1x64xf32, #tpu.memory_space<hbm>>
      tpu.enqueue_dma source(%parallel_loop3A_222 : memref<1x64xf32, #tpu.memory_space<hbm>>) target(%parallel_loop3A_220 : memref<1x64xf32, #tpu.memory_space<vmem_shared>>) target_semaphore(%arg11 : memref<!tpu.dma_semaphore, #tpu.memory_space<semaphore_mem>>)
      %parallel_loop3A_223 = vector.extract_strided_slice %parallel_loop3A_46 {offsets = [8], sizes = [1], strides = [1]} : vector<16xi32> to vector<1xi32>
      %parallel_loop3A_224 = vector.extract %parallel_loop3A_223[0] : i32 from vector<1xi32>
      %parallel_loop3A_225 = arith.constant 8 : i32
      %parallel_loop3A_226 = arith.addi %parallel_loop3A_41, %parallel_loop3A_225 : i32
      %parallel_loop3A_227 = arith.constant 0 : i32
      %parallel_loop3A_228 = tpu.memref_slice %arg8[%parallel_loop3A_226, %parallel_loop3A_227] : memref<256x64xf32, #tpu.memory_space<vmem>> -> memref<1x64xf32, #tpu.memory_space<vmem>>
      %parallel_loop3A_229 = arith.constant 0 : i32
      %parallel_loop3A_230 = tpu.memref_slice %arg2[%parallel_loop3A_224, %parallel_loop3A_229] : memref<1000001x64xf32, #tpu.memory_space<hbm>> -> memref<1x64xf32, #tpu.memory_space<hbm>>
      %parallel_loop3A_231 = arith.constant 0 : i32
      %parallel_loop3A_232 = tpu.memref_slice %arg8[%parallel_loop3A_226, %parallel_loop3A_231] : memref<256x64xf32, #tpu.memory_space<vmem>> -> memref<1x64xf32, #tpu.memory_space<vmem>>
      %parallel_loop3A_233 = arith.constant 0 : i32
      %parallel_loop3A_234 = tpu.memref_slice %arg2[%parallel_loop3A_224, %parallel_loop3A_233] : memref<1000001x64xf32, #tpu.memory_space<hbm>> -> memref<1x64xf32, #tpu.memory_space<hbm>>
      tpu.enqueue_dma source(%parallel_loop3A_234 : memref<1x64xf32, #tpu.memory_space<hbm>>) target(%parallel_loop3A_232 : memref<1x64xf32, #tpu.memory_space<vmem>>) target_semaphore(%arg10 : memref<!tpu.dma_semaphore, #tpu.memory_space<semaphore_mem>>)
      %parallel_loop3A_235 = arith.constant 8 : i32
      %parallel_loop3A_236 = arith.addi %parallel_loop3A_41, %parallel_loop3A_235 : i32
      %parallel_loop3A_237 = arith.constant 0 : i32
      %parallel_loop3A_238 = arith.constant 0 : i32
      %parallel_loop3A_239 = tpu.memref_slice %arg9[%arg1, %parallel_loop3A_237, %parallel_loop3A_238] : memref<16x256x64xf32, #tpu.memory_space<vmem_shared>> -> memref<1x256x64xf32, #tpu.memory_space<vmem_shared>>
      %parallel_loop3A_240 = tpu.memref_squeeze %parallel_loop3A_239 : memref<1x256x64xf32, #tpu.memory_space<vmem_shared>> -> memref<256x64xf32, #tpu.memory_space<vmem_shared>>
      %parallel_loop3A_241 = arith.constant 0 : i32
      %parallel_loop3A_242 = tpu.memref_slice %parallel_loop3A_240[%parallel_loop3A_236, %parallel_loop3A_241] : memref<256x64xf32, #tpu.memory_space<vmem_shared>> -> memref<1x64xf32, #tpu.memory_space<vmem_shared>>
      %parallel_loop3A_243 = arith.constant 0 : i32
      %parallel_loop3A_244 = tpu.memref_slice %arg3[%parallel_loop3A_224, %parallel_loop3A_243] : memref<1000001x64xf32, #tpu.memory_space<hbm>> -> memref<1x64xf32, #tpu.memory_space<hbm>>
      tpu.enqueue_dma source(%parallel_loop3A_244 : memref<1x64xf32, #tpu.memory_space<hbm>>) target(%parallel_loop3A_242 : memref<1x64xf32, #tpu.memory_space<vmem_shared>>) target_semaphore(%arg11 : memref<!tpu.dma_semaphore, #tpu.memory_space<semaphore_mem>>)
      %parallel_loop3A_245 = vector.extract_strided_slice %parallel_loop3A_46 {offsets = [9], sizes = [1], strides = [1]} : vector<16xi32> to vector<1xi32>
      %parallel_loop3A_246 = vector.extract %parallel_loop3A_245[0] : i32 from vector<1xi32>
      %parallel_loop3A_247 = arith.constant 9 : i32
      %parallel_loop3A_248 = arith.addi %parallel_loop3A_41, %parallel_loop3A_247 : i32
      %parallel_loop3A_249 = arith.constant 0 : i32
      %parallel_loop3A_250 = tpu.memref_slice %arg8[%parallel_loop3A_248, %parallel_loop3A_249] : memref<256x64xf32, #tpu.memory_space<vmem>> -> memref<1x64xf32, #tpu.memory_space<vmem>>
      %parallel_loop3A_251 = arith.constant 0 : i32
      %parallel_loop3A_252 = tpu.memref_slice %arg2[%parallel_loop3A_246, %parallel_loop3A_251] : memref<1000001x64xf32, #tpu.memory_space<hbm>> -> memref<1x64xf32, #tpu.memory_space<hbm>>
      %parallel_loop3A_253 = arith.constant 0 : i32
      %parallel_loop3A_254 = tpu.memref_slice %arg8[%parallel_loop3A_248, %parallel_loop3A_253] : memref<256x64xf32, #tpu.memory_space<vmem>> -> memref<1x64xf32, #tpu.memory_space<vmem>>
      %parallel_loop3A_255 = arith.constant 0 : i32
      %parallel_loop3A_256 = tpu.memref_slice %arg2[%parallel_loop3A_246, %parallel_loop3A_255] : memref<1000001x64xf32, #tpu.memory_space<hbm>> -> memref<1x64xf32, #tpu.memory_space<hbm>>
      tpu.enqueue_dma source(%parallel_loop3A_256 : memref<1x64xf32, #tpu.memory_space<hbm>>) target(%parallel_loop3A_254 : memref<1x64xf32, #tpu.memory_space<vmem>>) target_semaphore(%arg10 : memref<!tpu.dma_semaphore, #tpu.memory_space<semaphore_mem>>)
      %parallel_loop3A_257 = arith.constant 9 : i32
      %parallel_loop3A_258 = arith.addi %parallel_loop3A_41, %parallel_loop3A_257 : i32
      %parallel_loop3A_259 = arith.constant 0 : i32
      %parallel_loop3A_260 = arith.constant 0 : i32
      %parallel_loop3A_261 = tpu.memref_slice %arg9[%arg1, %parallel_loop3A_259, %parallel_loop3A_260] : memref<16x256x64xf32, #tpu.memory_space<vmem_shared>> -> memref<1x256x64xf32, #tpu.memory_space<vmem_shared>>
      %parallel_loop3A_262 = tpu.memref_squeeze %parallel_loop3A_261 : memref<1x256x64xf32, #tpu.memory_space<vmem_shared>> -> memref<256x64xf32, #tpu.memory_space<vmem_shared>>
      %parallel_loop3A_263 = arith.constant 0 : i32
      %parallel_loop3A_264 = tpu.memref_slice %parallel_loop3A_262[%parallel_loop3A_258, %parallel_loop3A_263] : memref<256x64xf32, #tpu.memory_space<vmem_shared>> -> memref<1x64xf32, #tpu.memory_space<vmem_shared>>
      %parallel_loop3A_265 = arith.constant 0 : i32
      %parallel_loop3A_266 = tpu.memref_slice %arg3[%parallel_loop3A_246, %parallel_loop3A_265] : memref<1000001x64xf32, #tpu.memory_space<hbm>> -> memref<1x64xf32, #tpu.memory_space<hbm>>
      tpu.enqueue_dma source(%parallel_loop3A_266 : memref<1x64xf32, #tpu.memory_space<hbm>>) target(%parallel_loop3A_264 : memref<1x64xf32, #tpu.memory_space<vmem_shared>>) target_semaphore(%arg11 : memref<!tpu.dma_semaphore, #tpu.memory_space<semaphore_mem>>)
      %parallel_loop3A_267 = vector.extract_strided_slice %parallel_loop3A_46 {offsets = [10], sizes = [1], strides = [1]} : vector<16xi32> to vector<1xi32>
      %parallel_loop3A_268 = vector.extract %parallel_loop3A_267[0] : i32 from vector<1xi32>
      %parallel_loop3A_269 = arith.constant 10 : i32
      %parallel_loop3A_270 = arith.addi %parallel_loop3A_41, %parallel_loop3A_269 : i32
      %parallel_loop3A_271 = arith.constant 0 : i32
      %parallel_loop3A_272 = tpu.memref_slice %arg8[%parallel_loop3A_270, %parallel_loop3A_271] : memref<256x64xf32, #tpu.memory_space<vmem>> -> memref<1x64xf32, #tpu.memory_space<vmem>>
      %parallel_loop3A_273 = arith.constant 0 : i32
      %parallel_loop3A_274 = tpu.memref_slice %arg2[%parallel_loop3A_268, %parallel_loop3A_273] : memref<1000001x64xf32, #tpu.memory_space<hbm>> -> memref<1x64xf32, #tpu.memory_space<hbm>>
      %parallel_loop3A_275 = arith.constant 0 : i32
      %parallel_loop3A_276 = tpu.memref_slice %arg8[%parallel_loop3A_270, %parallel_loop3A_275] : memref<256x64xf32, #tpu.memory_space<vmem>> -> memref<1x64xf32, #tpu.memory_space<vmem>>
      %parallel_loop3A_277 = arith.constant 0 : i32
      %parallel_loop3A_278 = tpu.memref_slice %arg2[%parallel_loop3A_268, %parallel_loop3A_277] : memref<1000001x64xf32, #tpu.memory_space<hbm>> -> memref<1x64xf32, #tpu.memory_space<hbm>>
      tpu.enqueue_dma source(%parallel_loop3A_278 : memref<1x64xf32, #tpu.memory_space<hbm>>) target(%parallel_loop3A_276 : memref<1x64xf32, #tpu.memory_space<vmem>>) target_semaphore(%arg10 : memref<!tpu.dma_semaphore, #tpu.memory_space<semaphore_mem>>)
      %parallel_loop3A_279 = arith.constant 10 : i32
      %parallel_loop3A_280 = arith.addi %parallel_loop3A_41, %parallel_loop3A_279 : i32
      %parallel_loop3A_281 = arith.constant 0 : i32
      %parallel_loop3A_282 = arith.constant 0 : i32
      %parallel_loop3A_283 = tpu.memref_slice %arg9[%arg1, %parallel_loop3A_281, %parallel_loop3A_282] : memref<16x256x64xf32, #tpu.memory_space<vmem_shared>> -> memref<1x256x64xf32, #tpu.memory_space<vmem_shared>>
      %parallel_loop3A_284 = tpu.memref_squeeze %parallel_loop3A_283 : memref<1x256x64xf32, #tpu.memory_space<vmem_shared>> -> memref<256x64xf32, #tpu.memory_space<vmem_shared>>
      %parallel_loop3A_285 = arith.constant 0 : i32
      %parallel_loop3A_286 = tpu.memref_slice %parallel_loop3A_284[%parallel_loop3A_280, %parallel_loop3A_285] : memref<256x64xf32, #tpu.memory_space<vmem_shared>> -> memref<1x64xf32, #tpu.memory_space<vmem_shared>>
      %parallel_loop3A_287 = arith.constant 0 : i32
      %parallel_loop3A_288 = tpu.memref_slice %arg3[%parallel_loop3A_268, %parallel_loop3A_287] : memref<1000001x64xf32, #tpu.memory_space<hbm>> -> memref<1x64xf32, #tpu.memory_space<hbm>>
      tpu.enqueue_dma source(%parallel_loop3A_288 : memref<1x64xf32, #tpu.memory_space<hbm>>) target(%parallel_loop3A_286 : memref<1x64xf32, #tpu.memory_space<vmem_shared>>) target_semaphore(%arg11 : memref<!tpu.dma_semaphore, #tpu.memory_space<semaphore_mem>>)
      %parallel_loop3A_289 = vector.extract_strided_slice %parallel_loop3A_46 {offsets = [11], sizes = [1], strides = [1]} : vector<16xi32> to vector<1xi32>
      %parallel_loop3A_290 = vector.extract %parallel_loop3A_289[0] : i32 from vector<1xi32>
      %parallel_loop3A_291 = arith.constant 11 : i32
      %parallel_loop3A_292 = arith.addi %parallel_loop3A_41, %parallel_loop3A_291 : i32
      %parallel_loop3A_293 = arith.constant 0 : i32
      %parallel_loop3A_294 = tpu.memref_slice %arg8[%parallel_loop3A_292, %parallel_loop3A_293] : memref<256x64xf32, #tpu.memory_space<vmem>> -> memref<1x64xf32, #tpu.memory_space<vmem>>
      %parallel_loop3A_295 = arith.constant 0 : i32
      %parallel_loop3A_296 = tpu.memref_slice %arg2[%parallel_loop3A_290, %parallel_loop3A_295] : memref<1000001x64xf32, #tpu.memory_space<hbm>> -> memref<1x64xf32, #tpu.memory_space<hbm>>
      %parallel_loop3A_297 = arith.constant 0 : i32
      %parallel_loop3A_298 = tpu.memref_slice %arg8[%parallel_loop3A_292, %parallel_loop3A_297] : memref<256x64xf32, #tpu.memory_space<vmem>> -> memref<1x64xf32, #tpu.memory_space<vmem>>
      %parallel_loop3A_299 = arith.constant 0 : i32
      %parallel_loop3A_300 = tpu.memref_slice %arg2[%parallel_loop3A_290, %parallel_loop3A_299] : memref<1000001x64xf32, #tpu.memory_space<hbm>> -> memref<1x64xf32, #tpu.memory_space<hbm>>
      tpu.enqueue_dma source(%parallel_loop3A_300 : memref<1x64xf32, #tpu.memory_space<hbm>>) target(%parallel_loop3A_298 : memref<1x64xf32, #tpu.memory_space<vmem>>) target_semaphore(%arg10 : memref<!tpu.dma_semaphore, #tpu.memory_space<semaphore_mem>>)
      %parallel_loop3A_301 = arith.constant 11 : i32
      %parallel_loop3A_302 = arith.addi %parallel_loop3A_41, %parallel_loop3A_301 : i32
      %parallel_loop3A_303 = arith.constant 0 : i32
      %parallel_loop3A_304 = arith.constant 0 : i32
      %parallel_loop3A_305 = tpu.memref_slice %arg9[%arg1, %parallel_loop3A_303, %parallel_loop3A_304] : memref<16x256x64xf32, #tpu.memory_space<vmem_shared>> -> memref<1x256x64xf32, #tpu.memory_space<vmem_shared>>
      %parallel_loop3A_306 = tpu.memref_squeeze %parallel_loop3A_305 : memref<1x256x64xf32, #tpu.memory_space<vmem_shared>> -> memref<256x64xf32, #tpu.memory_space<vmem_shared>>
      %parallel_loop3A_307 = arith.constant 0 : i32
      %parallel_loop3A_308 = tpu.memref_slice %parallel_loop3A_306[%parallel_loop3A_302, %parallel_loop3A_307] : memref<256x64xf32, #tpu.memory_space<vmem_shared>> -> memref<1x64xf32, #tpu.memory_space<vmem_shared>>
      %parallel_loop3A_309 = arith.constant 0 : i32
      %parallel_loop3A_310 = tpu.memref_slice %arg3[%parallel_loop3A_290, %parallel_loop3A_309] : memref<1000001x64xf32, #tpu.memory_space<hbm>> -> memref<1x64xf32, #tpu.memory_space<hbm>>
      tpu.enqueue_dma source(%parallel_loop3A_310 : memref<1x64xf32, #tpu.memory_space<hbm>>) target(%parallel_loop3A_308 : memref<1x64xf32, #tpu.memory_space<vmem_shared>>) target_semaphore(%arg11 : memref<!tpu.dma_semaphore, #tpu.memory_space<semaphore_mem>>)
      %parallel_loop3A_311 = vector.extract_strided_slice %parallel_loop3A_46 {offsets = [12], sizes = [1], strides = [1]} : vector<16xi32> to vector<1xi32>
      %parallel_loop3A_312 = vector.extract %parallel_loop3A_311[0] : i32 from vector<1xi32>
      %parallel_loop3A_313 = arith.constant 12 : i32
      %parallel_loop3A_314 = arith.addi %parallel_loop3A_41, %parallel_loop3A_313 : i32
      %parallel_loop3A_315 = arith.constant 0 : i32
      %parallel_loop3A_316 = tpu.memref_slice %arg8[%parallel_loop3A_314, %parallel_loop3A_315] : memref<256x64xf32, #tpu.memory_space<vmem>> -> memref<1x64xf32, #tpu.memory_space<vmem>>
      %parallel_loop3A_317 = arith.constant 0 : i32
      %parallel_loop3A_318 = tpu.memref_slice %arg2[%parallel_loop3A_312, %parallel_loop3A_317] : memref<1000001x64xf32, #tpu.memory_space<hbm>> -> memref<1x64xf32, #tpu.memory_space<hbm>>
      %parallel_loop3A_319 = arith.constant 0 : i32
      %parallel_loop3A_320 = tpu.memref_slice %arg8[%parallel_loop3A_314, %parallel_loop3A_319] : memref<256x64xf32, #tpu.memory_space<vmem>> -> memref<1x64xf32, #tpu.memory_space<vmem>>
      %parallel_loop3A_321 = arith.constant 0 : i32
      %parallel_loop3A_322 = tpu.memref_slice %arg2[%parallel_loop3A_312, %parallel_loop3A_321] : memref<1000001x64xf32, #tpu.memory_space<hbm>> -> memref<1x64xf32, #tpu.memory_space<hbm>>
      tpu.enqueue_dma source(%parallel_loop3A_322 : memref<1x64xf32, #tpu.memory_space<hbm>>) target(%parallel_loop3A_320 : memref<1x64xf32, #tpu.memory_space<vmem>>) target_semaphore(%arg10 : memref<!tpu.dma_semaphore, #tpu.memory_space<semaphore_mem>>)
      %parallel_loop3A_323 = arith.constant 12 : i32
      %parallel_loop3A_324 = arith.addi %parallel_loop3A_41, %parallel_loop3A_323 : i32
      %parallel_loop3A_325 = arith.constant 0 : i32
      %parallel_loop3A_326 = arith.constant 0 : i32
      %parallel_loop3A_327 = tpu.memref_slice %arg9[%arg1, %parallel_loop3A_325, %parallel_loop3A_326] : memref<16x256x64xf32, #tpu.memory_space<vmem_shared>> -> memref<1x256x64xf32, #tpu.memory_space<vmem_shared>>
      %parallel_loop3A_328 = tpu.memref_squeeze %parallel_loop3A_327 : memref<1x256x64xf32, #tpu.memory_space<vmem_shared>> -> memref<256x64xf32, #tpu.memory_space<vmem_shared>>
      %parallel_loop3A_329 = arith.constant 0 : i32
      %parallel_loop3A_330 = tpu.memref_slice %parallel_loop3A_328[%parallel_loop3A_324, %parallel_loop3A_329] : memref<256x64xf32, #tpu.memory_space<vmem_shared>> -> memref<1x64xf32, #tpu.memory_space<vmem_shared>>
      %parallel_loop3A_331 = arith.constant 0 : i32
      %parallel_loop3A_332 = tpu.memref_slice %arg3[%parallel_loop3A_312, %parallel_loop3A_331] : memref<1000001x64xf32, #tpu.memory_space<hbm>> -> memref<1x64xf32, #tpu.memory_space<hbm>>
      tpu.enqueue_dma source(%parallel_loop3A_332 : memref<1x64xf32, #tpu.memory_space<hbm>>) target(%parallel_loop3A_330 : memref<1x64xf32, #tpu.memory_space<vmem_shared>>) target_semaphore(%arg11 : memref<!tpu.dma_semaphore, #tpu.memory_space<semaphore_mem>>)
      %parallel_loop3A_333 = vector.extract_strided_slice %parallel_loop3A_46 {offsets = [13], sizes = [1], strides = [1]} : vector<16xi32> to vector<1xi32>
      %parallel_loop3A_334 = vector.extract %parallel_loop3A_333[0] : i32 from vector<1xi32>
      %parallel_loop3A_335 = arith.constant 13 : i32
      %parallel_loop3A_336 = arith.addi %parallel_loop3A_41, %parallel_loop3A_335 : i32
      %parallel_loop3A_337 = arith.constant 0 : i32
      %parallel_loop3A_338 = tpu.memref_slice %arg8[%parallel_loop3A_336, %parallel_loop3A_337] : memref<256x64xf32, #tpu.memory_space<vmem>> -> memref<1x64xf32, #tpu.memory_space<vmem>>
      %parallel_loop3A_339 = arith.constant 0 : i32
      %parallel_loop3A_340 = tpu.memref_slice %arg2[%parallel_loop3A_334, %parallel_loop3A_339] : memref<1000001x64xf32, #tpu.memory_space<hbm>> -> memref<1x64xf32, #tpu.memory_space<hbm>>
      %parallel_loop3A_341 = arith.constant 0 : i32
      %parallel_loop3A_342 = tpu.memref_slice %arg8[%parallel_loop3A_336, %parallel_loop3A_341] : memref<256x64xf32, #tpu.memory_space<vmem>> -> memref<1x64xf32, #tpu.memory_space<vmem>>
      %parallel_loop3A_343 = arith.constant 0 : i32
      %parallel_loop3A_344 = tpu.memref_slice %arg2[%parallel_loop3A_334, %parallel_loop3A_343] : memref<1000001x64xf32, #tpu.memory_space<hbm>> -> memref<1x64xf32, #tpu.memory_space<hbm>>
      tpu.enqueue_dma source(%parallel_loop3A_344 : memref<1x64xf32, #tpu.memory_space<hbm>>) target(%parallel_loop3A_342 : memref<1x64xf32, #tpu.memory_space<vmem>>) target_semaphore(%arg10 : memref<!tpu.dma_semaphore, #tpu.memory_space<semaphore_mem>>)
      %parallel_loop3A_345 = arith.constant 13 : i32
      %parallel_loop3A_346 = arith.addi %parallel_loop3A_41, %parallel_loop3A_345 : i32
      %parallel_loop3A_347 = arith.constant 0 : i32
      %parallel_loop3A_348 = arith.constant 0 : i32
      %parallel_loop3A_349 = tpu.memref_slice %arg9[%arg1, %parallel_loop3A_347, %parallel_loop3A_348] : memref<16x256x64xf32, #tpu.memory_space<vmem_shared>> -> memref<1x256x64xf32, #tpu.memory_space<vmem_shared>>
      %parallel_loop3A_350 = tpu.memref_squeeze %parallel_loop3A_349 : memref<1x256x64xf32, #tpu.memory_space<vmem_shared>> -> memref<256x64xf32, #tpu.memory_space<vmem_shared>>
      %parallel_loop3A_351 = arith.constant 0 : i32
      %parallel_loop3A_352 = tpu.memref_slice %parallel_loop3A_350[%parallel_loop3A_346, %parallel_loop3A_351] : memref<256x64xf32, #tpu.memory_space<vmem_shared>> -> memref<1x64xf32, #tpu.memory_space<vmem_shared>>
      %parallel_loop3A_353 = arith.constant 0 : i32
      %parallel_loop3A_354 = tpu.memref_slice %arg3[%parallel_loop3A_334, %parallel_loop3A_353] : memref<1000001x64xf32, #tpu.memory_space<hbm>> -> memref<1x64xf32, #tpu.memory_space<hbm>>
      tpu.enqueue_dma source(%parallel_loop3A_354 : memref<1x64xf32, #tpu.memory_space<hbm>>) target(%parallel_loop3A_352 : memref<1x64xf32, #tpu.memory_space<vmem_shared>>) target_semaphore(%arg11 : memref<!tpu.dma_semaphore, #tpu.memory_space<semaphore_mem>>)
      %parallel_loop3A_355 = vector.extract_strided_slice %parallel_loop3A_46 {offsets = [14], sizes = [1], strides = [1]} : vector<16xi32> to vector<1xi32>
      %parallel_loop3A_356 = vector.extract %parallel_loop3A_355[0] : i32 from vector<1xi32>
      %parallel_loop3A_357 = arith.constant 14 : i32
      %parallel_loop3A_358 = arith.addi %parallel_loop3A_41, %parallel_loop3A_357 : i32
      %parallel_loop3A_359 = arith.constant 0 : i32
      %parallel_loop3A_360 = tpu.memref_slice %arg8[%parallel_loop3A_358, %parallel_loop3A_359] : memref<256x64xf32, #tpu.memory_space<vmem>> -> memref<1x64xf32, #tpu.memory_space<vmem>>
      %parallel_loop3A_361 = arith.constant 0 : i32
      %parallel_loop3A_362 = tpu.memref_slice %arg2[%parallel_loop3A_356, %parallel_loop3A_361] : memref<1000001x64xf32, #tpu.memory_space<hbm>> -> memref<1x64xf32, #tpu.memory_space<hbm>>
      %parallel_loop3A_363 = arith.constant 0 : i32
      %parallel_loop3A_364 = tpu.memref_slice %arg8[%parallel_loop3A_358, %parallel_loop3A_363] : memref<256x64xf32, #tpu.memory_space<vmem>> -> memref<1x64xf32, #tpu.memory_space<vmem>>
      %parallel_loop3A_365 = arith.constant 0 : i32
      %parallel_loop3A_366 = tpu.memref_slice %arg2[%parallel_loop3A_356, %parallel_loop3A_365] : memref<1000001x64xf32, #tpu.memory_space<hbm>> -> memref<1x64xf32, #tpu.memory_space<hbm>>
      tpu.enqueue_dma source(%parallel_loop3A_366 : memref<1x64xf32, #tpu.memory_space<hbm>>) target(%parallel_loop3A_364 : memref<1x64xf32, #tpu.memory_space<vmem>>) target_semaphore(%arg10 : memref<!tpu.dma_semaphore, #tpu.memory_space<semaphore_mem>>)
      %parallel_loop3A_367 = arith.constant 14 : i32
      %parallel_loop3A_368 = arith.addi %parallel_loop3A_41, %parallel_loop3A_367 : i32
      %parallel_loop3A_369 = arith.constant 0 : i32
      %parallel_loop3A_370 = arith.constant 0 : i32
      %parallel_loop3A_371 = tpu.memref_slice %arg9[%arg1, %parallel_loop3A_369, %parallel_loop3A_370] : memref<16x256x64xf32, #tpu.memory_space<vmem_shared>> -> memref<1x256x64xf32, #tpu.memory_space<vmem_shared>>
      %parallel_loop3A_372 = tpu.memref_squeeze %parallel_loop3A_371 : memref<1x256x64xf32, #tpu.memory_space<vmem_shared>> -> memref<256x64xf32, #tpu.memory_space<vmem_shared>>
      %parallel_loop3A_373 = arith.constant 0 : i32
      %parallel_loop3A_374 = tpu.memref_slice %parallel_loop3A_372[%parallel_loop3A_368, %parallel_loop3A_373] : memref<256x64xf32, #tpu.memory_space<vmem_shared>> -> memref<1x64xf32, #tpu.memory_space<vmem_shared>>
      %parallel_loop3A_375 = arith.constant 0 : i32
      %parallel_loop3A_376 = tpu.memref_slice %arg3[%parallel_loop3A_356, %parallel_loop3A_375] : memref<1000001x64xf32, #tpu.memory_space<hbm>> -> memref<1x64xf32, #tpu.memory_space<hbm>>
      tpu.enqueue_dma source(%parallel_loop3A_376 : memref<1x64xf32, #tpu.memory_space<hbm>>) target(%parallel_loop3A_374 : memref<1x64xf32, #tpu.memory_space<vmem_shared>>) target_semaphore(%arg11 : memref<!tpu.dma_semaphore, #tpu.memory_space<semaphore_mem>>)
      %parallel_loop3A_377 = vector.extract_strided_slice %parallel_loop3A_46 {offsets = [15], sizes = [1], strides = [1]} : vector<16xi32> to vector<1xi32>
      %parallel_loop3A_378 = vector.extract %parallel_loop3A_377[0] : i32 from vector<1xi32>
      %parallel_loop3A_379 = arith.constant 15 : i32
      %parallel_loop3A_380 = arith.addi %parallel_loop3A_41, %parallel_loop3A_379 : i32
      %parallel_loop3A_381 = arith.constant 0 : i32
      %parallel_loop3A_382 = tpu.memref_slice %arg8[%parallel_loop3A_380, %parallel_loop3A_381] : memref<256x64xf32, #tpu.memory_space<vmem>> -> memref<1x64xf32, #tpu.memory_space<vmem>>
      %parallel_loop3A_383 = arith.constant 0 : i32
      %parallel_loop3A_384 = tpu.memref_slice %arg2[%parallel_loop3A_378, %parallel_loop3A_383] : memref<1000001x64xf32, #tpu.memory_space<hbm>> -> memref<1x64xf32, #tpu.memory_space<hbm>>
      %parallel_loop3A_385 = arith.constant 0 : i32
      %parallel_loop3A_386 = tpu.memref_slice %arg8[%parallel_loop3A_380, %parallel_loop3A_385] : memref<256x64xf32, #tpu.memory_space<vmem>> -> memref<1x64xf32, #tpu.memory_space<vmem>>
      %parallel_loop3A_387 = arith.constant 0 : i32
      %parallel_loop3A_388 = tpu.memref_slice %arg2[%parallel_loop3A_378, %parallel_loop3A_387] : memref<1000001x64xf32, #tpu.memory_space<hbm>> -> memref<1x64xf32, #tpu.memory_space<hbm>>
      tpu.enqueue_dma source(%parallel_loop3A_388 : memref<1x64xf32, #tpu.memory_space<hbm>>) target(%parallel_loop3A_386 : memref<1x64xf32, #tpu.memory_space<vmem>>) target_semaphore(%arg10 : memref<!tpu.dma_semaphore, #tpu.memory_space<semaphore_mem>>)
      %parallel_loop3A_389 = arith.constant 15 : i32
      %parallel_loop3A_390 = arith.addi %parallel_loop3A_41, %parallel_loop3A_389 : i32
      %parallel_loop3A_391 = arith.constant 0 : i32
      %parallel_loop3A_392 = arith.constant 0 : i32
      %parallel_loop3A_393 = tpu.memref_slice %arg9[%arg1, %parallel_loop3A_391, %parallel_loop3A_392] : memref<16x256x64xf32, #tpu.memory_space<vmem_shared>> -> memref<1x256x64xf32, #tpu.memory_space<vmem_shared>>
      %parallel_loop3A_394 = tpu.memref_squeeze %parallel_loop3A_393 : memref<1x256x64xf32, #tpu.memory_space<vmem_shared>> -> memref<256x64xf32, #tpu.memory_space<vmem_shared>>
      %parallel_loop3A_395 = arith.constant 0 : i32
      %parallel_loop3A_396 = tpu.memref_slice %parallel_loop3A_394[%parallel_loop3A_390, %parallel_loop3A_395] : memref<256x64xf32, #tpu.memory_space<vmem_shared>> -> memref<1x64xf32, #tpu.memory_space<vmem_shared>>
      %parallel_loop3A_397 = arith.constant 0 : i32
      %parallel_loop3A_398 = tpu.memref_slice %arg3[%parallel_loop3A_378, %parallel_loop3A_397] : memref<1000001x64xf32, #tpu.memory_space<hbm>> -> memref<1x64xf32, #tpu.memory_space<hbm>>
      tpu.enqueue_dma source(%parallel_loop3A_398 : memref<1x64xf32, #tpu.memory_space<hbm>>) target(%parallel_loop3A_396 : memref<1x64xf32, #tpu.memory_space<vmem_shared>>) target_semaphore(%arg11 : memref<!tpu.dma_semaphore, #tpu.memory_space<semaphore_mem>>)
    } {sc.loop_unroll_factor = 1 : i64, sc.parallel_access}
    %dma_wait3A_24 = arith.constant 0 : i32
    %dma_wait3A_25 = arith.constant 0 : i32
    %dma_wait3A_26 = tpu.memref_slice %arg2[%dma_wait3A_24, %dma_wait3A_25] : memref<1000001x64xf32, #tpu.memory_space<hbm>> -> memref<256x64xf32, #tpu.memory_space<hbm>>
    %dma_wait3A_27 = arith.constant 0 : i32
    %dma_wait3A_28 = arith.constant 0 : i32
    %dma_wait3A_29 = tpu.memref_slice %arg2[%dma_wait3A_27, %dma_wait3A_28] : memref<1000001x64xf32, #tpu.memory_space<hbm>> -> memref<256x64xf32, #tpu.memory_space<hbm>>
    tpu.wait_dma2 semaphore(%arg10 : memref<!tpu.dma_semaphore, #tpu.memory_space<semaphore_mem>>) src(%dma_wait3A_29 : memref<256x64xf32, #tpu.memory_space<hbm>>) dst(%arg8 : memref<256x64xf32, #tpu.memory_space<vmem>>)
    %dma_wait3A_30 = arith.constant 0 : i32
    %dma_wait3A_31 = arith.constant 0 : i32
    %dma_wait3A_32 = tpu.memref_slice %arg9[%arg1, %dma_wait3A_30, %dma_wait3A_31] : memref<16x256x64xf32, #tpu.memory_space<vmem_shared>> -> memref<1x256x64xf32, #tpu.memory_space<vmem_shared>>
    %dma_wait3A_33 = tpu.memref_squeeze %dma_wait3A_32 : memref<1x256x64xf32, #tpu.memory_space<vmem_shared>> -> memref<256x64xf32, #tpu.memory_space<vmem_shared>>
    %dma_wait3A_34 = arith.constant 0 : i32
    %dma_wait3A_35 = arith.constant 0 : i32
    %dma_wait3A_36 = tpu.memref_slice %arg3[%dma_wait3A_34, %dma_wait3A_35] : memref<1000001x64xf32, #tpu.memory_space<hbm>> -> memref<256x64xf32, #tpu.memory_space<hbm>>
    tpu.wait_dma2 semaphore(%arg11 : memref<!tpu.dma_semaphore, #tpu.memory_space<semaphore_mem>>) src(%dma_wait3A_36 : memref<256x64xf32, #tpu.memory_space<hbm>>) dst(%dma_wait3A_33 : memref<256x64xf32, #tpu.memory_space<vmem_shared>>)
    %add3A_37 = arith.constant 256 : i32
    %add3A_38 = arith.addi %mul3A_2, %add3A_37 : i32
    "tpu.region"() ({
      %run_scoped3A = tpu.sem_alloc : memref<!tpu.dma_semaphore, #tpu.memory_space<semaphore_mem>>
      %dma_start3A = arith.constant 0 : i32
      %dma_start3A_41 = tpu.memref_slice %arg5[%add3A_38, %dma_start3A] : memref<16384x64xf32, #tpu.memory_space<hbm>> -> memref<256x64xf32, #tpu.memory_space<hbm>>
      %dma_start3A_42 = arith.constant 0 : i32
      %dma_start3A_43 = tpu.memref_slice %arg5[%add3A_38, %dma_start3A_42] : memref<16384x64xf32, #tpu.memory_space<hbm>> -> memref<256x64xf32, #tpu.memory_space<hbm>>
      tpu.enqueue_dma source(%arg8 : memref<256x64xf32, #tpu.memory_space<vmem>>) target(%dma_start3A_43 : memref<256x64xf32, #tpu.memory_space<hbm>>) target_semaphore(%run_scoped3A : memref<!tpu.dma_semaphore, #tpu.memory_space<semaphore_mem>>)
      %dma_wait3A_44 = arith.constant 0 : i32
      %dma_wait3A_45 = tpu.memref_slice %arg5[%add3A_38, %dma_wait3A_44] : memref<16384x64xf32, #tpu.memory_space<hbm>> -> memref<256x64xf32, #tpu.memory_space<hbm>>
      %dma_wait3A_46 = arith.constant 0 : i32
      %dma_wait3A_47 = tpu.memref_slice %arg5[%add3A_38, %dma_wait3A_46] : memref<16384x64xf32, #tpu.memory_space<hbm>> -> memref<256x64xf32, #tpu.memory_space<hbm>>
      tpu.wait_dma2 semaphore(%run_scoped3A : memref<!tpu.dma_semaphore, #tpu.memory_space<semaphore_mem>>) src(%arg8 : memref<256x64xf32, #tpu.memory_space<vmem>>) dst(%dma_wait3A_47 : memref<256x64xf32, #tpu.memory_space<hbm>>)
      tpu.yield
    }) : () -> ()
    %add3A_39 = arith.constant 256 : i32
    %add3A_40 = arith.addi %mul3A_2, %add3A_39 : i32
    "tpu.region"() ({
      %run_scoped3A = tpu.sem_alloc : memref<!tpu.dma_semaphore, #tpu.memory_space<semaphore_mem>>
      %dma_start3A = arith.constant 0 : i32
      %dma_start3A_41 = tpu.memref_slice %arg6[%add3A_40, %dma_start3A] : memref<16384x64xf32, #tpu.memory_space<hbm>> -> memref<256x64xf32, #tpu.memory_space<hbm>>
      %dma_start3A_42 = arith.constant 0 : i32
      %dma_start3A_43 = arith.constant 0 : i32
      %dma_start3A_44 = tpu.memref_slice %arg9[%arg1, %dma_start3A_42, %dma_start3A_43] : memref<16x256x64xf32, #tpu.memory_space<vmem_shared>> -> memref<1x256x64xf32, #tpu.memory_space<vmem_shared>>
      %dma_start3A_45 = tpu.memref_squeeze %dma_start3A_44 : memref<1x256x64xf32, #tpu.memory_space<vmem_shared>> -> memref<256x64xf32, #tpu.memory_space<vmem_shared>>
      tpu.enqueue_dma source(%dma_start3A_45 : memref<256x64xf32, #tpu.memory_space<vmem_shared>>) target(%dma_start3A_41 : memref<256x64xf32, #tpu.memory_space<hbm>>) target_semaphore(%run_scoped3A : memref<!tpu.dma_semaphore, #tpu.memory_space<semaphore_mem>>)
      %dma_wait3A_46 = arith.constant 0 : i32
      %dma_wait3A_47 = tpu.memref_slice %arg6[%add3A_40, %dma_wait3A_46] : memref<16384x64xf32, #tpu.memory_space<hbm>> -> memref<256x64xf32, #tpu.memory_space<hbm>>
      %dma_wait3A_48 = arith.constant 0 : i32
      %dma_wait3A_49 = arith.constant 0 : i32
      %dma_wait3A_50 = tpu.memref_slice %arg9[%arg1, %dma_wait3A_48, %dma_wait3A_49] : memref<16x256x64xf32, #tpu.memory_space<vmem_shared>> -> memref<1x256x64xf32, #tpu.memory_space<vmem_shared>>
      %dma_wait3A_51 = tpu.memref_squeeze %dma_wait3A_50 : memref<1x256x64xf32, #tpu.memory_space<vmem_shared>> -> memref<256x64xf32, #tpu.memory_space<vmem_shared>>
      tpu.wait_dma2 semaphore(%run_scoped3A : memref<!tpu.dma_semaphore, #tpu.memory_space<semaphore_mem>>) src(%dma_wait3A_51 : memref<256x64xf32, #tpu.memory_space<vmem_shared>>) dst(%dma_wait3A_47 : memref<256x64xf32, #tpu.memory_space<hbm>>)
      tpu.yield
    }) : () -> ()
    return
  }
}

module attributes {stable_mosaic.version = 14 : i64} {
  func.func @_mlp_body(%arg0: i32, %arg1: memref<4096x64xf32, #tpu.memory_space<vmem>>, %arg2: memref<4096x64xf32, #tpu.memory_space<vmem>>, %arg3: memref<128x128xf32, #tpu.memory_space<vmem>>, %arg4: memref<1x128xf32, #tpu.memory_space<vmem>>, %arg5: memref<2x128xf32, #tpu.memory_space<vmem>>, %arg6: memref<1x2xf32, #tpu.memory_space<vmem>>, %arg7: memref<4096x64xf32, #tpu.memory_space<vmem>>) attributes {dimension_semantics = [#tpu.dimension_semantics<arbitrary>], iteration_bounds = array<i64: 4>, scalar_prefetch = 0 : i64, scratch_operands = 0 : i64, tpu.core_type = #tpu.core_type<tc>, window_params = [{transform_indices = @transform_0, window_bounds = array<i64: 4096, 64>}, {transform_indices = @transform_1, window_bounds = array<i64: 4096, 64>}, {pipeline_mode = #tpu.pipeline_mode<synchronous>, transform_indices = @transform_2, window_bounds = array<i64: 128, 128>}, {pipeline_mode = #tpu.pipeline_mode<synchronous>, transform_indices = @transform_3, window_bounds = array<i64: 1, 128>}, {pipeline_mode = #tpu.pipeline_mode<synchronous>, transform_indices = @transform_4, window_bounds = array<i64: 2, 128>}, {pipeline_mode = #tpu.pipeline_mode<synchronous>, transform_indices = @transform_5, window_bounds = array<i64: 1, 2>}, {transform_indices = @transform_6, window_bounds = array<i64: 4096, 64>}]} {
    %get3A = arith.constant 0 : index
    %get3A_0 = arith.constant 0 : index
    %get3A_1 = vector.load %arg1[%get3A, %get3A_0] : memref<4096x64xf32, #tpu.memory_space<vmem>>, vector<4096x64xf32>
    %get3A_2 = arith.constant 0 : index
    %get3A_3 = arith.constant 0 : index
    %get3A_4 = vector.load %arg2[%get3A_2, %get3A_3] : memref<4096x64xf32, #tpu.memory_space<vmem>>, vector<4096x64xf32>
    %get3A_5 = arith.constant 0 : index
    %get3A_6 = arith.constant 0 : index
    %get3A_7 = vector.load %arg3[%get3A_5, %get3A_6] : memref<128x128xf32, #tpu.memory_space<vmem>>, vector<128x128xf32>
    %slice3A = vector.extract_strided_slice %get3A_7 {offsets = [0, 0], sizes = [128, 64], strides = [1, 1]} : vector<128x128xf32> to vector<128x64xf32>
    %dot_general3A = arith.constant dense<0.000000e+00> : vector<4096x128xf32>
    %dot_general3A_8 = tpu.matmul %get3A_1, %slice3A, %dot_general3A {dimension_numbers = #tpu.dot_dimension_numbers<[1], [1], [0], [0], [0, 0, 1, 0], [], []>, transpose_lhs_hint = false} : vector<4096x64xf32>, vector<128x64xf32>, vector<4096x128xf32> -> vector<4096x128xf32>
    %slice3A_9 = vector.extract_strided_slice %get3A_7 {offsets = [0, 64], sizes = [128, 64], strides = [1, 1]} : vector<128x128xf32> to vector<128x64xf32>
    %dot_general3A_10 = arith.constant dense<0.000000e+00> : vector<4096x128xf32>
    %dot_general3A_11 = tpu.matmul %get3A_4, %slice3A_9, %dot_general3A_10 {dimension_numbers = #tpu.dot_dimension_numbers<[1], [1], [0], [0], [0, 0, 1, 0], [], []>, transpose_lhs_hint = false} : vector<4096x64xf32>, vector<128x64xf32>, vector<4096x128xf32> -> vector<4096x128xf32>
    %add3A = arith.addf %dot_general3A_8, %dot_general3A_11 : vector<4096x128xf32>
    %get3A_12 = arith.constant 0 : index
    %get3A_13 = arith.constant 0 : index
    %get3A_14 = vector.load %arg4[%get3A_12, %get3A_13] : memref<1x128xf32, #tpu.memory_space<vmem>>, vector<1x128xf32>
    %add3A_15 = vector.broadcast %get3A_14 : vector<1x128xf32> to vector<4096x128xf32>
    %add3A_16 = arith.addf %add3A, %add3A_15 : vector<4096x128xf32>
    %max3A = arith.constant 0.000000e+00 : f32
    %max3A_17 = vector.broadcast %max3A : f32 to vector<4096x128xf32>
    %max3A_18 = arith.maximumf %add3A_16, %max3A_17 : vector<4096x128xf32>
    %get3A_19 = arith.constant 0 : index
    %get3A_20 = arith.constant 0 : index
    %get3A_21 = vector.load %arg5[%get3A_19, %get3A_20] : memref<2x128xf32, #tpu.memory_space<vmem>>, vector<2x128xf32>
    %dot_general3A_22 = arith.constant dense<0.000000e+00> : vector<4096x2xf32>
    %dot_general3A_23 = tpu.matmul %max3A_18, %get3A_21, %dot_general3A_22 {dimension_numbers = #tpu.dot_dimension_numbers<[1], [1], [0], [0], [0, 0, 1, 0], [], []>, transpose_lhs_hint = false} : vector<4096x128xf32>, vector<2x128xf32>, vector<4096x2xf32> -> vector<4096x2xf32>
    %get3A_24 = arith.constant 0 : index
    %get3A_25 = arith.constant 0 : index
    %get3A_26 = vector.load %arg6[%get3A_24, %get3A_25] : memref<1x2xf32, #tpu.memory_space<vmem>>, vector<1x2xf32>
    %slice3A_27 = vector.extract_strided_slice %dot_general3A_23 {offsets = [0, 0], sizes = [4096, 1], strides = [1, 1]} : vector<4096x2xf32> to vector<4096x1xf32>
    %slice3A_28 = vector.extract_strided_slice %dot_general3A_23 {offsets = [0, 1], sizes = [4096, 1], strides = [1, 1]} : vector<4096x2xf32> to vector<4096x1xf32>
    %sub3A = arith.subf %slice3A_27, %slice3A_28 : vector<4096x1xf32>
    %slice3A_29 = vector.extract_strided_slice %get3A_26 {offsets = [0, 0], sizes = [1, 1], strides = [1, 1]} : vector<1x2xf32> to vector<1x1xf32>
    %squeeze3A = vector.extract %slice3A_29[0, 0] : f32 from vector<1x1xf32>
    %slice3A_30 = vector.extract_strided_slice %get3A_26 {offsets = [0, 1], sizes = [1, 1], strides = [1, 1]} : vector<1x2xf32> to vector<1x1xf32>
    %squeeze3A_31 = vector.extract %slice3A_30[0, 0] : f32 from vector<1x1xf32>
    %sub3A_32 = arith.subf %squeeze3A, %squeeze3A_31 : f32
    %add3A_33 = vector.broadcast %sub3A_32 : f32 to vector<4096x1xf32>
    %add3A_34 = arith.addf %sub3A, %add3A_33 : vector<4096x1xf32>
    %neg3A = arith.constant 0.000000e+00 : f32
    %neg3A_35 = vector.broadcast %neg3A : f32 to vector<4096x1xf32>
    %neg3A_36 = arith.subf %neg3A_35, %add3A_34 : vector<4096x1xf32>
    %exp3A = math.exp %neg3A_36 : vector<4096x1xf32>
    %add3A_37 = arith.constant 1.000000e+00 : f32
    %add3A_38 = vector.broadcast %add3A_37 : f32 to vector<4096x1xf32>
    %add3A_39 = arith.addf %add3A_38, %exp3A : vector<4096x1xf32>
    %div3A = arith.constant 1.000000e+00 : f32
    %div3A_40 = vector.broadcast %div3A : f32 to vector<4096x1xf32>
    %div3A_41 = arith.divf %div3A_40, %add3A_39 : vector<4096x1xf32>
    %sub3A_42 = arith.subf %get3A_1, %get3A_4 : vector<4096x64xf32>
    %mul3A = vector.broadcast %div3A_41 : vector<4096x1xf32> to vector<4096x64xf32>
    %mul3A_43 = arith.mulf %mul3A, %sub3A_42 : vector<4096x64xf32>
    %add3A_44 = arith.addf %get3A_4, %mul3A_43 : vector<4096x64xf32>
    %swap3A = arith.constant 0 : index
    %swap3A_45 = arith.constant 0 : index
    %swap3A_46 = vector.load %arg7[%swap3A, %swap3A_45] : memref<4096x64xf32, #tpu.memory_space<vmem>>, vector<4096x64xf32>
    tpu.vector_store %arg7[%swap3A, %swap3A_45], %add3A_44 {strides = array<i32>} : memref<4096x64xf32, #tpu.memory_space<vmem>>, vector<4096x64xf32>,
    return
  }
  func.func @transform_0(%arg0: i32) -> (i32, i32) {
    %c0_i32 = arith.constant 0 : i32
    %c0_i32_0 = arith.constant 0 : i32
    return %arg0, %c0_i32 : i32, i32
  }
  func.func @transform_1(%arg0: i32) -> (i32, i32) {
    %c0_i32 = arith.constant 0 : i32
    %c0_i32_0 = arith.constant 0 : i32
    return %arg0, %c0_i32 : i32, i32
  }
  func.func @transform_2(%arg0: i32) -> (i32, i32) {
    %c0_i32 = arith.constant 0 : i32
    %c0_i32_0 = arith.constant 0 : i32
    %c0_i32_1 = arith.constant 0 : i32
    return %c0_i32, %c0_i32_0 : i32, i32
  }
  func.func @transform_3(%arg0: i32) -> (i32, i32) {
    %c0_i32 = arith.constant 0 : i32
    %c0_i32_0 = arith.constant 0 : i32
    %c0_i32_1 = arith.constant 0 : i32
    return %c0_i32, %c0_i32_0 : i32, i32
  }
  func.func @transform_4(%arg0: i32) -> (i32, i32) {
    %c0_i32 = arith.constant 0 : i32
    %c0_i32_0 = arith.constant 0 : i32
    %c0_i32_1 = arith.constant 0 : i32
    return %c0_i32, %c0_i32_0 : i32, i32
  }
  func.func @transform_5(%arg0: i32) -> (i32, i32) {
    %c0_i32 = arith.constant 0 : i32
    %c0_i32_0 = arith.constant 0 : i32
    %c0_i32_1 = arith.constant 0 : i32
    return %c0_i32, %c0_i32_0 : i32, i32
  }
  func.func @transform_6(%arg0: i32) -> (i32, i32) {
    %c0_i32 = arith.constant 0 : i32
    %c0_i32_0 = arith.constant 0 : i32
    return %arg0, %c0_i32 : i32, i32
  }
}

</mosaic_0001>

<sc_bundles>
// kernel: kernel.4.cloned.1.call-start
scs
__scs_entry_jumppad:
0x0: {  	(pc) =	sbr.rel $0x88, $3  }
0x1: {  	(tag) =	ssettag $0x0;
	lr =	simm.s32 $0x1  }
0x2: {  	[smem:$0x3F9A] =	sst lr;
	_ =	strace $0xD0000000  }
0x3: {  	_ = 	snop  }
0x4: {  	_ = 	snop  }
0x5: {  	_ = 	snop  }
0x6: {  	_ = 	snop  }
0x7: {  	_ = 	snop  }
__scs_overlays_trampoline_lowered:
0x8: {  	[smem:$0x3FA9] =	sst s0  }
0x9: {  	[smem:$0x3FAA] =	sst s1  }
0xa: {  	[smem:$0x3FAB] =	sst s2  }
0xb: {  	[smem:$0x3FAC] =	sst s3  }
0xc: {  	[smem:$0x3FAD] =	sst s4  }
0xd: {  	[smem:$0x3FAE] =	sst s5  }
0xe: {  	[smem:$0x3FAF] =	sst s6  }
0xf: {  	[smem:$0x3FB0] =	sst s7  }
0x10: {  	[smem:$0x3FB1] =	sst s8  }
0x11: {  	[smem:$0x3FB2] =	sst s9;
	s0 =	simm.s32 @!p0 $0x0  }
0x12: {  	s1 =	sld [smem:$0x3F98];
	s0 =	simm.s32 @p0 $0x1  }
0x13: {  	[smem:$0x3FB3] =	sst s0;
	s0 =	simm.s32 @!p1 $0x0  }
0x14: {  	s2 =	sld [smem:$0x3F97];
	s0 =	simm.s32 @p1 $0x1  }
0x15: {  	[smem:$0x3FB4] =	sst s0;
	s0 =	simm.s32 @!p2 $0x0  }
0x16: {  	s3 =	sld [smem:$0x3FDB];
	s0 =	simm.s32 @p2 $0x1  }
0x17: {  	s4 =	simm.s32 $0x1BF5;
	[smem:$0x3FB6] =	sst s0  }
0x18: {  	s0 =	sld [smem:$0x3F99];
	_ =	swait.ge [sflag:s4], $0x0  }
0x19: {  	s7 =	sld [smem:$0x3F9A]  }
0x1a: {  	s8 =	sadd.s32 $0xFFFFE003, lr  }
0x1b: {  	s9 =	sadd.s32 $0xFFFFFEF7, lr;
	s5 =	simm.s32 $0xFFFFFFFF;
	p2 =	slt.u32 s8, $0xFFFFF086  }
0x1c: {  	p1 =	slt.u32 s9, $0xF7A;
	s5 =	simm.s32 @!p2 $0x0  }
0x1d: {  	s5 =	simm.s32 @p1 $0x1;
	p0 =	seq.s32 s7, s2  }
0x1e: {  	s7 =	smul.u32 @!p0 $0xF7A, s2;
	p2 =	seq.s32 @!p0 s5, $0x0  }
0x1f: {  	s9 =	smul.u32 $0xF7A, s1;
	s8 =	simm.s32 @!p0 $0x1BF5;
	p2 =	por !p2, p0  }
0x20: {  	[sflag:s8] =	ssyncset.s32 @!p0 $0xFFFFF086;
	s6 =	sadd.s32 @!p0 s3, s7;
	s7 =	simm.s32 @!p0 $0x108  }
0x21: {  	s3 =	sadd.s32 s3, s9;
	s6 =	sadd.s32 @!p0 $0x88, s6;
	s7 =	simm.s32 @p2 $0x1082  }
0x22: {  	[simem:s7], [sflag:s8] =	dma.local @!p0 [hbm:s6], $0xF7A  }
0x23: {  	s9 =	sor.u32 $0xD0000000, s2;
	s6 =	simm.s32 $0x108;
	_ =	swait.ge @!p0 [sflag:s8], $0x0  }
0x24: {  	s3 =	sadd.s32 $0x88, s3;
	s6 =	simm.s32 @!p1 $0x1082;
	[sflag:s4] =	ssyncset.s32 $0xFFFFF086  }
0x25: {  	[simem:s6], [sflag:s4] =	dma.local [hbm:s3], $0xF7A  }
0x26: {  	[smem:$0x3F9A] =	sst s1;
	(tag) =	ssettag s2;
	_ =	strace s9  }
0x27: {  	s1 =	sld [smem:$0x3FAA]  }
0x28: {  	s2 =	sld [smem:$0x3FAB]  }
0x29: {  	s4 =	sld [smem:$0x3FAD]  }
0x2a: {  	p0 =	seq.s32 s5, $0x0;
	s5 =	sld [smem:$0x3FAE]  }
0x2b: {  	s6 =	sld [smem:$0x3FAF]  }
0x2c: {  	s7 =	sld [smem:$0x3FB0]  }
0x2d: {  	s3 =	simm.s32 $0x108;
	s8 =	sld [smem:$0x3FB1]  }
0x2e: {  	s3 =	simm.s32 @!p0 $0x1082;
	s9 =	sld [smem:$0x3FB2]  }
0x2f: {  	lr =	sadd.s32 s0, s3;
	s0 =	sld [smem:$0x3FA9]  }
0x30: {  	s3 =	sld [smem:$0x3FAC]  }
0x31: {  	[smem:$0x3FB5] =	sst s10  }
0x32: {  	s10 =	sld [smem:$0x3FB3];
	_ =	sdelay $0x3  }
0x33: {  	p0 =	seq.s32 s10, $0x1;
	s10 =	sld [smem:$0x3FB5];
	_ =	sdelay $0x3  }
0x34: {  	[smem:$0x3FB5] =	sst s10  }
0x35: {  	s10 =	sld [smem:$0x3FB4];
	_ =	sdelay $0x3  }
0x36: {  	p1 =	seq.s32 s10, $0x1;
	s10 =	sld [smem:$0x3FB5];
	_ =	sdelay $0x3  }
0x37: {  	[smem:$0x3FB5] =	sst s10  }
0x38: {  	s10 =	sld [smem:$0x3FB6]  }
0x39: {  	_ = 	snop;
	(pc) =	sbr.ind lr, $3  }
0x3a: {  	_ = 	snop  }
0x3b: {  	_ = 	snop  }
0x3c: {  	p2 =	seq.s32 s10, $0x1;
	s10 =	sld [smem:$0x3FB5]  }
0x3d: {  	_ =	shalt  }
0x3e: {  	_ =	shalt  }
0x3f: {  	_ =	shalt  }
0x40: {  	_ =	shalt  }
0x41: {  	_ =	shalt  }
0x42: {  	_ =	shalt  }
0x43: {  	_ =	shalt  }
0x44: {  	_ =	shalt  }
0x45: {  	_ =	shalt  }
0x46: {  	_ =	shalt  }
0x47: {  	_ =	shalt  }
0x48: {  	_ =	shalt  }
0x49: {  	_ =	shalt  }
0x4a: {  	_ =	shalt  }
0x4b: {  	_ =	shalt  }
0x4c: {  	_ =	shalt  }
0x4d: {  	_ =	shalt  }
0x4e: {  	_ =	shalt  }
0x4f: {  	_ =	shalt  }
0x50: {  	_ =	shalt  }
0x51: {  	_ =	shalt  }
0x52: {  	_ =	shalt  }
0x53: {  	_ =	shalt  }
0x54: {  	_ =	shalt  }
0x55: {  	_ =	shalt  }
0x56: {  	_ =	shalt  }
0x57: {  	_ =	shalt  }
0x58: {  	_ =	shalt  }
0x59: {  	_ =	shalt  }
0x5a: {  	_ =	shalt  }
0x5b: {  	_ =	shalt  }
0x5c: {  	_ =	shalt  }
0x5d: {  	_ =	shalt  }
0x5e: {  	_ =	shalt  }
0x5f: {  	_ =	shalt  }
0x60: {  	_ =	shalt  }
0x61: {  	_ =	shalt  }
0x62: {  	_ =	shalt  }
0x63: {  	_ =	shalt  }
0x64: {  	_ =	shalt  }
0x65: {  	_ =	shalt  }
0x66: {  	_ =	shalt  }
0x67: {  	_ =	shalt  }
0x68: {  	_ =	shalt  }
0x69: {  	_ =	shalt  }
0x6a: {  	_ =	shalt  }
0x6b: {  	_ =	shalt  }
0x6c: {  	_ =	shalt  }
0x6d: {  	_ =	shalt  }
0x6e: {  	_ =	shalt  }
0x6f: {  	_ =	shalt  }
0x70: {  	_ =	shalt  }
0x71: {  	_ =	shalt  }
0x72: {  	_ =	shalt  }
0x73: {  	_ =	shalt  }
0x74: {  	_ =	shalt  }
0x75: {  	_ =	shalt  }
0x76: {  	_ =	shalt  }
0x77: {  	_ =	shalt  }
0x78: {  	_ =	shalt  }
0x79: {  	_ =	shalt  }
0x7a: {  	_ =	shalt  }
0x7b: {  	_ =	shalt  }
0x7c: {  	_ =	shalt  }
0x7d: {  	_ =	shalt  }
0x7e: {  	_ =	shalt  }
0x7f: {  	_ =	shalt  }
0x80: {  	_ =	shalt  }
0x81: {  	_ =	shalt  }
0x82: {  	_ =	shalt  }
0x83: {  	_ =	shalt  }
0x84: {  	_ =	shalt  }
0x85: {  	_ =	shalt  }
0x86: {  	_ =	shalt  }
0x87: {  	_ =	shalt  }
.Lfunc_end0:
.L_simem_size_0:
called_computation_lowered:
.L_overlay_start_0:
0x88: {  	s2 =	sld [smem:$0x3FD9]  }
0x89: {  	s3 =	sld [smem:$0x3FFE];
	_ =	sdelay $0x1  }
0x8a: {  	s1 =	srdreg.scid  }
0x8b: {  	s0 =	sand.u32 $0x1, s1  }
0x8c: {  	s17 =	sshll.u32 s0, $0xA;
	s2 =	sadd.s32 s3, s2  }
0x8d: {  	s2 =	sadd.s32 s2, s17  }
0x8e: {  	[smem:$0x3FC1] =	sst s2  }
0x8f: {  	_ = 	snop  }
0x90: {  	s2 =	sld [smem:$0x3FC9];
	(tm) =	ssettm $0x1  }
0x91: {  	s18 =	sld [smem:$0x3FFB];
	_ =	sdelay $0x3  }
0x92: {  	_ =	strace s18  }
0x93: {  	s3 =	sld [smem:$0x3FFC];
	_ =	sdelay $0x3  }
0x94: {  	_ =	strace s3  }
0x95: {  	s3 =	sld [smem:$0x3FFD];
	_ =	sdelay $0x3  }
0x96: {  	_ =	strace s3  }
0x97: {  	_ =	strace $0x8FFFFFFF  }
0x98: {  	s19 =	sld [smem:$0x3FDB];
	_ =	sdelay $0x1  }
0x99: {  	s4 =	simm.s32 $_scs_section_size  }
0x9a: {  	s5 =	simm.s32 $_size__tile_overlayer_lowered;
	s6 =	simm.s32 $_tile_overlayer_lowered  }
0x9b: {  	s22 =	simm.s32 $0x1BFF;
	s21 =	sshll.u32 s6, $0x1;
	s3 =	sadd.s32 s4, s19  }
0x9c: {  	s7 =	simm.s32 $0x0;
	s20 =	sshll.u32 s5, $0x1;
	s5 =	sadd.s32 s21, s3  }
0x9d: {  	[timem:s7], [sflag:s22] =	dma.local [hbm:s5], s20  }
0x9e: {  	_ =	swait.ge [sflag:s22], s20  }
0x9f: {  	s4 =	ssub.s32 $0x0, s20;
	[sflag:s22] =	ssyncset.done $0x0  }
0xa0: {  	[sflag:s22] =	ssyncadd.s32 s4;
	_ =	sdelay $0x1  }
0xa1: {  	s23 =	simm.s32 $0x1B8B  }
0xa2: {  	_ =	swait.ge [sflag:s23], $0x1  }
0xa3: {  	[sflag:s23] =	ssyncset.done $0x0  }
0xa4: {  	s25 =	simm.s32 $0x1B8E;
	s24 =	sld [smem:$0x3FFE];
	[sflag:s23] =	ssyncadd.s32 $0xFFFFFFFF  }
0xa5: {  	s26 =	simm.s32 $execute0_lowered;
	[smem:$0x3FD2] =	sst s25  }
0xa6: {  	s5 =	sshll.u32 s26, $0x1;
	_ =	strace $0x80000046;
	[dreg:$0x1] =	wrdreg $0xFFFFFFFF  }
0xa7: {  	s28 =	simm.s32 $_size_execute0_lowered;
	s3 =	sadd.s32 s3, s5;
	[dreg:$0x0] =	wrdreg $0x0  }
0xa8: {  	s5 =	sshll.u32 s28, $0x1;
	[dreg:$0x2] =	wrdreg s3  }
0xa9: {  	[dreg:$0x3] =	wrdreg s5  }
0xaa: {  	[dreg:$0x4] =	wrdreg $0xC0  }
0xab: {  	_ =	task [dreg:s7], $0x5FFFF  }
0xac: {  	[dreg:$0x1] =	wrdreg $0xFFFFFFFF  }
0xad: {  	[dreg:$0x0] =	wrdreg $0x60  }
0xae: {  	[dreg:$0x2] =	wrdreg s24  }
0xaf: {  	[dreg:$0x3] =	wrdreg s2  }
0xb0: {  	[dreg:$0x4] =	wrdreg $0x82000  }
0xb1: {  	[dreg:$0x5] =	wrdreg $0x9  }
0xb2: {  	_ =	task.clear_ibuf [dreg:s7], $0x6FFFF;
	_ =	strace $0x90000046  }
0xb3: {  	s29 =	simm.s32 $0x9;
	_ =	strace $0x80000048  }
0xb4: {  	_ =	swait.ge [sflag:s29], $0x1  }
0xb5: {  	[sflag:s29] =	ssyncadd.s32 $0xFFFFFFFF  }
0xb6: {  	_ =	strace $0x90000048  }
0xb7: {  	_ =	sfence  }
0xb8: {  	s30 =	sld [smem:$0x0];
	_ =	sdelay $0x2  }
0xb9: {  	s31 =	sshll.u32 s1, $0xD;
	s1 =	sshrl.u32 s1, $0x2  }
0xba: {  	s3 =	sand.u32 $0x4000, s31;
	s1 =	sadd.s32 s1, s30  }
0xbb: {  	s0 =	sor.u32 s3, s0;
	s1 =	sshll.u32 s1, $0x11  }
0xbc: {  	s0 =	sor.u32 s1, s0  }
0xbd: {  	s0 =	sadd.s32 $0x8F2B, s0  }
0xbe: {  	[sflag:s0] =	ssyncadd.remote.s32 $0x1  }
0xbf: {  	_ =	sfence.sel $0xFFFF  }
0xc0: {  	[dreg:$0x0] =	wrdreg $0xFFFFFFFF;
	(pc) =	sbr.abs _section_cstart, $3  }
0xc1: {  	[dreg:$0x1] =	wrdreg $0xFFFFFFFF  }
0xc2: {  	_ =	task.clear_ibuf [dreg:s7], $0x2FFFF;
	_ =	strace $0x9FFFFFFF  }
0xc3: {  	(tm) =	ssettm $0x7FFFFFFF  }
tec
execute0_lowered:
.L_overlay_start_1:
0x0: {  	(tag) =	ssettag $0x1  }
0x1: {  	s0 =	rddreg [dreg:$0x0]  }
0x2: {  	s1 =	rddreg [dreg:$0x1]  }
0x3: {  	s2 =	rddreg [dreg:$0x2];
	s4 =	simm.s32 $0x0  }
0x4: {  	s5 =	srdreg.scid;
	[smem:$0x7FF] =	sst s4;
	s14 =	sadd.s32 $0x1200, s0  }
0x5: {  	s3 =	stileid.u32;
	s26 =	sadd.s32 $0xF43800, s0;
	s6 =	sadd.s32 $0x1E85E00, s0  }
0x6: {  	s5 =	sand.u32 $0x1, s5;
	s9 =	sshll.u32 s3, $0xA;
	s0 =	sadd.s32 $0x1EC5E00, s0  }
0x7: {  	s22 =	sshll.u32 s3, $0xF;
	s7 =	ssub.s32 $0x2, s5;
	s5 =	sshll.u32 s5, $0x9  }
0x8: {  	s31 =	sshll.u32 s3, $0x6;
	_ =	strace $0x80000047;
	s5 =	sor.u32 s5, s9  }
0x9: {  	s23 =	sadd.s32 s22, s2;
	[smem:$0x7FD] =	sst s31;
	s21 =	sshrl.u32 s5, $0x3  }
0xa: {  	[dreg:$0x4] =	wrdreg s23;
	s5 =	sshll.u32 s5, $0x4;
	s1 =	sadd.s32 s1, s21  }
0xb: {  	s8 =	sshrl.u32 s7, $0x1;
	s25 =	sadd.s32 s6, s5;
	[smem:$0x7F7] =	sst s1  }
0xc: {  	s7 =	ssub.s32 s7, s8;
	s28 =	sadd.s32 s0, s5;
	[smem:$0x7F8] =	sst s25  }
0xd: {  	s24 =	sor.u32 $0x1000, s5;
	s30 =	smax.u32 s7, $0x1;
	[smem:$0x7F9] =	sst s28  }
0xe: {  	s29 =	sadd.s32 s6, s24;
	[smem:$0x7FC] =	sst s30  }
0xf: {  	s0 =	sadd.s32 s0, s24;
	[smem:$0x7FA] =	sst s29  }
0x10: {  	[smem:$0x7FB] =	sst s0;
	s0 =	sor.u32 $0x1C02, s31  }
0x11: {  	s2 =	simm.s32 $0x0;
	s1 =	simm.s32 $0x3;
	[dreg:$0x5] =	wrdreg s0  }
.LBB2_1:
0x12: {  	s0 =	sld [smem:$0x7F7];
	_ =	sdelay $0x1  }
0x13: {  	[smem:$0x7F5] =	sst s2  }
0x14: {  	[tilespmem:s4], [sflag:$0x3] =	stream.linear.gather [hbm4b:s0+s4], $0x200, $0x38;
	[tilespmem:$0xC200] =	vst v63  }
0x15: {  	_ =	swait.ge [sflag:s1], $0x200  }
0x16: {  	[sflag:s1] =	ssyncset.done $0x0  }
0x17: {  	[sflag:s1] =	ssyncadd.s32 $0xFFFFFE00  }
0x18: {  	v0 =	vld [tilespmem:s4+$0x0];
	_ =	sdelay $0x4  }
0x19: {  	v0 =	vshll.u32 v0, $0x4  }
0x1a: {  	(v2sf) =	vpush v0, $0xF  }
0x1b: {  	(v2sf) =	vpush v0, $0xE  }
0x1c: {  	(v2sf) =	vpush v0, $0xD  }
0x1d: {  	(v2sf) =	vpush v0, $0xC  }
0x1e: {  	(v2sf) =	vpush v0, $0xB  }
0x1f: {  	(v2sf) =	vpush v0, $0xA  }
0x20: {  	(v2sf) =	vpush v0, $0x9  }
0x21: {  	(v2sf) =	vpush v0, $0x8  }
0x22: {  	(v2sf) =	vpush v0, $0x7  }
0x23: {  	(v2sf) =	vpush v0, $0x6  }
0x24: {  	(v2sf) =	vpush v0, $0x5  }
0x25: {  	(v2sf) =	vpush v0, $0x4  }
0x26: {  	(v2sf) =	vpush v0, $0x3  }
0x27: {  	(v2sf) =	vpush v0, $0x2  }
0x28: {  	(v2sf) =	vpush v0, $0x1  }
0x29: {  	(v2sf) =	vpush v0, $0x0;
	s6 =	spop (v2sf)  }
0x2a: {  	s11 =	spop (v2sf)  }
0x2b: {  	s12 =	spop (v2sf)  }
0x2c: {  	s16 =	spop (v2sf)  }
0x2d: {  	s10 =	spop (v2sf)  }
0x2e: {  	s13 =	spop (v2sf)  }
0x2f: {  	s19 =	simm.s32 $0x2000;
	s2 =	spop (v2sf)  }
0x30: {  	s20 =	simm.s32 $0x10;
	s30 =	simm.s32 $0x880;
	s7 =	spop (v2sf)  }
0x31: {  	s29 =	simm.s32 $0x900;
	s28 =	simm.s32 $0x980;
	s15 =	spop (v2sf)  }
0x32: {  	s23 =	simm.s32 $0x200;
	s24 =	simm.s32 $0x280;
	s0 =	spop (v2sf)  }
0x33: {  	s3 =	rddreg [dreg:$0x4];
	s1 =	simm.s32 $0x580;
	s8 =	spop (v2sf)  }
0x34: {  	s5 =	sadd.s32 $0x0, s3;
	[dreg:$0x16] =	wrdreg s28;
	s9 =	spop (v2sf)  }
0x35: {  	s6 =	sand.u32 $0x1FFFFFF0, s6;
	s11 =	sand.u32 $0x1FFFFFF0, s11;
	s17 =	spop (v2sf)  }
0x36: {  	s2 =	sand.u32 $0x1FFFFFF0, s2;
	s0 =	sand.u32 $0x1FFFFFF0, s0;
	s18 =	spop (v2sf)  }
0x37: {  	s8 =	sand.u32 $0x1FFFFFF0, s8;
	s9 =	sand.u32 $0x1FFFFFF0, s9;
	s21 =	spop (v2sf)  }
0x38: {  	s17 =	sand.u32 $0x1FFFFFF0, s17;
	s18 =	sand.u32 $0x1FFFFFF0, s18;
	s22 =	spop (v2sf)  }
0x39: {  	s25 =	sand.u32 $0x1FFFFFF0, s21;
	s21 =	simm.s32 $0x600;
	s22 =	sand.u32 $0x1FFFFFF0, s22  }
0x3a: {  	s28 =	sadd.s32 s14, s25;
	s25 =	sadd.s32 s26, s25;
	s3 =	sadd.s32 s14, s22  }
0x3b: {  	[tilespmem:s23], [sflag:$0x1] =	stream.linear.gather [hbm4b:s3+s4], $0x80, $0x38;
	[tilespmem:$0xC200] =	vst v63  }
0x3c: {  	s22 =	sadd.s32 s26, s22;
	s23 =	sshrl.u32 s5, $0x3;
	s3 =	rddreg [dreg:$0x5]  }
0x3d: {  	[spmem:s23], [sflag:s3] =	dma.local [hbm:s22], $0x10  }
0x3e: {  	[tilespmem:s24], [sflag:$0x1] =	stream.linear.gather [hbm4b:s28+s4], $0x80, $0x38;
	[tilespmem:$0xC200] =	vst v63  }
0x3f: {  	s22 =	simm.s32 $0x400;
	s24 =	sadd.s32 $0x80, s5;
	s28 =	sadd.s32 $0x100, s5  }
0x40: {  	s23 =	sshrl.u32 s24, $0x3;
	s24 =	sshrl.u32 s28, $0x3;
	s28 =	sadd.s32 s14, s18  }
0x41: {  	[spmem:s23], [sflag:s3] =	dma.local [hbm:s25], $0x10  }
0x42: {  	s18 =	sadd.s32 s26, s18;
	s25 =	simm.s32 $0x300;
	s23 =	simm.s32 $0x500  }
0x43: {  	[tilespmem:s25], [sflag:$0x1] =	stream.linear.gather [hbm4b:s28+s4], $0x80, $0x38;
	[tilespmem:$0xC200] =	vst v63  }
0x44: {  	s25 =	simm.s32 $0x380;
	s28 =	sadd.s32 s14, s17;
	s17 =	sadd.s32 s26, s17  }
0x45: {  	[spmem:s24], [sflag:s3] =	dma.local [hbm:s18], $0x10  }
0x46: {  	[tilespmem:s25], [sflag:$0x1] =	stream.linear.gather [hbm4b:s28+s4], $0x80, $0x38;
	[tilespmem:$0xC200] =	vst v63  }
0x47: {  	s18 =	simm.s32 $0x480;
	s25 =	sadd.s32 $0x180, s5;
	s28 =	sadd.s32 s14, s9  }
0x48: {  	s9 =	sadd.s32 s26, s9;
	s24 =	sshrl.u32 s25, $0x3;
	s25 =	sadd.s32 $0x200, s5  }
0x49: {  	[spmem:s24], [sflag:s3] =	dma.local [hbm:s17], $0x10  }
0x4a: {  	s17 =	sadd.s32 $0x780, s5;
	s24 =	sshrl.u32 s25, $0x3;
	s25 =	sadd.s32 $0x300, s5  }
0x4b: {  	[tilespmem:s22], [sflag:$0x1] =	stream.linear.gather [hbm4b:s28+s4], $0x80, $0x38;
	[tilespmem:$0xC200] =	vst v63  }
0x4c: {  	s22 =	sadd.s32 $0x680, s5;
	s28 =	sadd.s32 s14, s8;
	s8 =	sadd.s32 s26, s8  }
0x4d: {  	[spmem:s24], [sflag:s3] =	dma.local [hbm:s9], $0x10  }
0x4e: {  	s17 =	sshrl.u32 s17, $0x3;
	s9 =	sadd.s32 $0x700, s5;
	s24 =	sadd.s32 $0x280, s5  }
0x4f: {  	[tilespmem:s18], [sflag:$0x1] =	stream.linear.gather [hbm4b:s28+s4], $0x80, $0x38;
	[tilespmem:$0xC200] =	vst v63  }
0x50: {  	s31 =	sshrl.u32 s22, $0x3;
	s18 =	sadd.s32 $0x580, s5;
	s24 =	sshrl.u32 s24, $0x3  }
0x51: {  	s28 =	sadd.s32 s14, s0;
	s0 =	sadd.s32 s26, s0;
	s9 =	sshrl.u32 s9, $0x3  }
0x52: {  	[spmem:s24], [sflag:s3] =	dma.local [hbm:s8], $0x10  }
0x53: {  	s8 =	sadd.s32 $0x600, s5;
	s24 =	sshrl.u32 s25, $0x3;
	s25 =	sadd.s32 $0x500, s5  }
0x54: {  	[tilespmem:s23], [sflag:$0x1] =	stream.linear.gather [hbm4b:s28+s4], $0x80, $0x38;
	[tilespmem:$0xC200] =	vst v63  }
0x55: {  	s22 =	sshrl.u32 s18, $0x3;
	s18 =	sadd.s32 s26, s2;
	s28 =	sadd.s32 $0x380, s5  }
0x56: {  	[spmem:s24], [sflag:s3] =	dma.local [hbm:s0], $0x10  }
0x57: {  	s8 =	sshrl.u32 s8, $0x3;
	s24 =	sadd.s32 $0x480, s5;
	s5 =	sadd.s32 $0x400, s5  }
0x58: {  	[dreg:$0x11] =	wrdreg s22;
	s22 =	sand.u32 $0x1FFFFFF0, s12;
	s23 =	sshrl.u32 s24, $0x3  }
0x59: {  	s24 =	sshrl.u32 s25, $0x3;
	s25 =	sshrl.u32 s28, $0x3;
	[dreg:$0x1e] =	wrdreg s23  }
0x5a: {  	s5 =	sshrl.u32 s5, $0x3;
	s28 =	sand.u32 $0x1FFFFFF0, s15;
	[dreg:$0x1a] =	wrdreg s24  }
0x5b: {  	s24 =	sand.u32 $0x1FFFFFF0, s13;
	s23 =	sand.u32 $0x1FFFFFF0, s10;
	s13 =	sand.u32 $0x1FFFFFF0, s16  }
0x5c: {  	s0 =	sadd.s32 s14, s28;
	s10 =	sadd.s32 s14, s6;
	s16 =	sadd.s32 s26, s22  }
0x5d: {  	[tilespmem:s1], [sflag:$0x1] =	stream.linear.gather [hbm4b:s0+s4], $0x80, $0x38;
	[tilespmem:$0xC200] =	vst v63  }
0x5e: {  	s15 =	sadd.s32 s26, s28;
	s22 =	sadd.s32 s14, s22;
	s1 =	sand.u32 $0x1FFFFFF0, s7  }
0x5f: {  	s7 =	sadd.s32 s26, s6;
	s12 =	sadd.s32 s14, s13;
	s6 =	simm.s32 $0x700  }
0x60: {  	[spmem:s25], [sflag:s3] =	dma.local [hbm:s15], $0x10  }
0x61: {  	s0 =	simm.s32 $0x680;
	s25 =	sadd.s32 s14, s11;
	s15 =	sadd.s32 s26, s11  }
0x62: {  	s28 =	sadd.s32 s14, s1;
	s11 =	sadd.s32 s26, s13;
	s1 =	sadd.s32 s26, s1  }
0x63: {  	s13 =	sadd.s32 s14, s23;
	s23 =	sadd.s32 s26, s23;
	[smem:$0x7F6] =	sst s25  }
0x64: {  	[tilespmem:s21], [sflag:$0x1] =	stream.linear.gather [hbm4b:s28+s4], $0x80, $0x38;
	[tilespmem:$0xC200] =	vst v63  }
0x65: {  	[spmem:s5], [sflag:s3] =	dma.local [hbm:s1], $0x10  }
0x66: {  	s25 =	sadd.s32 s14, s24;
	s21 =	sadd.s32 s26, s24;
	s5 =	sadd.s32 s14, s2  }
0x67: {  	s2 =	simm.s32 $0x780;
	s1 =	simm.s32 $0x800;
	s3 =	simm.s32 $0x0  }
.LBB2_2:
0x68: {  	v0 =	vld [tilespmem:s20+$0x0];
	[tilespmem:s0], [sflag:$0x1] =	stream.linear.gather [hbm4b:s5+s4], $0x80, $0x38  }
0x69: {  	s24 =	rddreg [dreg:$0x5]  }
0x6a: {  	s28 =	rddreg [dreg:$0x1e]  }
0x6b: {  	[spmem:s28], [sflag:s24] =	dma.local [hbm:s18], $0x10  }
0x6c: {  	[tilespmem:s6], [sflag:$0x1] =	stream.linear.gather [hbm4b:s25+s4], $0x80, $0x38;
	[tilespmem:$0xC200] =	vst v63  }
0x6d: {  	s0 =	rddreg [dreg:$0x1a]  }
0x6e: {  	[spmem:s0], [sflag:s24] =	dma.local [hbm:s21], $0x10  }
0x6f: {  	[tilespmem:s2], [sflag:$0x1] =	stream.linear.gather [hbm4b:s13+s4], $0x80, $0x38;
	[tilespmem:$0xC200] =	vst v63  }
0x70: {  	s0 =	rddreg [dreg:$0x11]  }
0x71: {  	v0 =	vshll.u32 v0, $0x4;
	[spmem:s0], [sflag:s24] =	dma.local [hbm:s23], $0x10  }
0x72: {  	(v2sf) =	vpush v0, $0xF  }
0x73: {  	[tilespmem:s1], [sflag:$0x1] =	stream.linear.gather [hbm4b:s12+s4], $0x80, $0x38;
	(v2sf) =	vpush v0, $0xE;
	[tilespmem:$0xC200] =	vst v63  }
0x74: {  	[spmem:s8], [sflag:s24] =	dma.local [hbm:s11], $0x10  }
0x75: {  	(v2sf) =	vpush v0, $0xD  }
0x76: {  	[tilespmem:s30], [sflag:$0x1] =	stream.linear.gather [hbm4b:s22+s4], $0x80, $0x38;
	(v2sf) =	vpush v0, $0xC;
	[tilespmem:$0xC200] =	vst v63  }
0x77: {  	[spmem:s31], [sflag:s24] =	dma.local [hbm:s16], $0x10  }
0x78: {  	s5 =	sld [smem:$0x7F6];
	_ =	sdelay $0x1  }
0x79: {  	(v2sf) =	vpush v0, $0xB  }
0x7a: {  	(v2sf) =	vpush v0, $0xA;
	[tilespmem:s29], [sflag:$0x1] =	stream.linear.gather [hbm4b:s5+s4], $0x80, $0x38;
	[tilespmem:$0xC200] =	vst v63  }
0x7b: {  	[spmem:s9], [sflag:s24] =	dma.local [hbm:s15], $0x10  }
0x7c: {  	s9 =	sadd.s32 $0x2000, s19;
	(v2sf) =	vpush v0, $0x9;
	s6 =	rddreg [dreg:$0x16]  }
0x7d: {  	[tilespmem:s6], [sflag:$0x1] =	stream.linear.gather [hbm4b:s10+s4], $0x80, $0x38;
	(v2sf) =	vpush v0, $0x8;
	[tilespmem:$0xC200] =	vst v63  }
0x7e: {  	[spmem:s17], [sflag:s24] =	dma.local [hbm:s7], $0x10  }
0x7f: {  	s8 =	sshra.s32 s19, $0x2;
	s10 =	sadd.s32 $0x10, s20;
	[dreg:$0x6] =	wrdreg s9  }
0x80: {  	s11 =	sadd.s32 $0x880, s8;
	[dreg:$0x7] =	wrdreg s10  }
0x81: {  	s12 =	sadd.s32 $0x900, s8;
	[dreg:$0x17] =	wrdreg s11  }
0x82: {  	s13 =	sadd.s32 $0x980, s8;
	[dreg:$0x12] =	wrdreg s12  }
0x83: {  	s15 =	sadd.s32 $0x700, s8;
	[dreg:$0x16] =	wrdreg s13  }
0x84: {  	s16 =	sadd.s32 $0x780, s8;
	[smem:$0x7E0] =	sst s15  }
0x85: {  	s18 =	sadd.s32 $0x580, s8;
	[dreg:$0x19] =	wrdreg s16  }
0x86: {  	s19 =	sadd.s32 $0x600, s8;
	[dreg:$0x15] =	wrdreg s18  }
0x87: {  	s20 =	sadd.s32 $0x680, s8;
	[dreg:$0x14] =	wrdreg s19  }
0x88: {  	s21 =	sadd.s32 $0x400, s8;
	[dreg:$0x1c] =	wrdreg s20  }
0x89: {  	s22 =	sadd.s32 $0x480, s8;
	[smem:$0x7E8] =	sst s21  }
0x8a: {  	s23 =	sadd.s32 $0x500, s8;
	[smem:$0x7EA] =	sst s22  }
0x8b: {  	s28 =	sadd.s32 $0x300, s8;
	[dreg:$0x1f] =	wrdreg s23  }
0x8c: {  	s5 =	sadd.s32 $0x380, s8;
	[smem:$0x7E1] =	sst s28  }
0x8d: {  	s6 =	sadd.s32 $0x200, s8;
	[smem:$0x7E4] =	sst s5  }
0x8e: {  	[smem:$0x7DA] =	sst s6  }
0x8f: {  	s0 =	sadd.s32 $0x280, s8;
	s25 =	rddreg [dreg:$0x4]  }
0x90: {  	s17 =	sadd.s32 $0x800, s8;
	[smem:$0x7DD] =	sst s0;
	s1 =	sadd.s32 s8, s25  }
0x91: {  	[smem:$0x7DE] =	sst s17;
	s7 =	sadd.s32 $0x780, s1  }
0x92: {  	s6 =	sadd.s32 $0x680, s1;
	s8 =	sadd.s32 $0x700, s1;
	s9 =	sadd.s32 $0x580, s1  }
0x93: {  	s11 =	sadd.s32 $0x600, s1;
	s12 =	sadd.s32 $0x480, s1;
	s15 =	sadd.s32 $0x500, s1  }
0x94: {  	s16 =	sadd.s32 $0x380, s1;
	s17 =	sadd.s32 $0x400, s1;
	s21 =	sadd.s32 $0x280, s1  }
0x95: {  	s22 =	sadd.s32 $0x300, s1;
	s25 =	sadd.s32 $0x180, s1;
	s2 =	sadd.s32 $0x200, s1  }
0x96: {  	s28 =	sadd.s32 $0x80, s1;
	s30 =	sadd.s32 $0x100, s1;
	s1 =	sshrl.u32 s1, $0x3  }
0x97: {  	[smem:$0x7DB] =	sst s1;
	s0 =	sshrl.u32 s7, $0x3  }
0x98: {  	s1 =	sshrl.u32 s8, $0x3;
	[smem:$0x7E3] =	sst s0  }
0x99: {  	s6 =	sshrl.u32 s6, $0x3;
	[smem:$0x7EE] =	sst s1  }
0x9a: {  	(v2sf) =	vpush v0, $0x7;
	s8 =	sshrl.u32 s9, $0x3;
	[smem:$0x7DC] =	sst s6  }
0x9b: {  	(v2sf) =	vpush v0, $0x6;
	s9 =	sshrl.u32 s11, $0x3;
	[dreg:$0x11] =	wrdreg s8  }
0x9c: {  	(v2sf) =	vpush v0, $0x5;
	s11 =	sshrl.u32 s12, $0x3;
	[smem:$0x7E7] =	sst s9  }
0x9d: {  	(v2sf) =	vpush v0, $0x4;
	s12 =	sshrl.u32 s15, $0x3;
	[dreg:$0x1e] =	wrdreg s11  }
0x9e: {  	s15 =	sshrl.u32 s16, $0x3;
	(v2sf) =	vpush v0, $0x3;
	[dreg:$0x1a] =	wrdreg s12  }
0x9f: {  	s17 =	sshrl.u32 s17, $0x3;
	[smem:$0x7EF] =	sst s15;
	(v2sf) =	vpush v0, $0x2  }
0xa0: {  	s5 =	spop (v2sf);
	s21 =	sshrl.u32 s21, $0x3;
	[smem:$0x7F3] =	sst s17;
	(v2sf) =	vpush v0, $0x1  }
0xa1: {  	s10 =	spop (v2sf);
	s16 =	sshrl.u32 s2, $0x3;
	[smem:$0x7EB] =	sst s21  }
0xa2: {  	s5 =	sand.u32 $0x1FFFFFF0, s5;
	s8 =	sshrl.u32 s22, $0x3;
	[smem:$0x7E9] =	sst s16;
	(v2sf) =	vpush v0, $0x0  }
0xa3: {  	s13 =	spop (v2sf);
	s9 =	sshrl.u32 s25, $0x3;
	[smem:$0x7ED] =	sst s8  }
0xa4: {  	s21 =	sshrl.u32 s28, $0x3;
	s18 =	spop (v2sf);
	[smem:$0x7E6] =	sst s9  }
0xa5: {  	s22 =	sshrl.u32 s30, $0x3;
	[smem:$0x7DF] =	sst s21;
	s23 =	spop (v2sf)  }
0xa6: {  	s2 =	sand.u32 $0x1FFFFFF0, s10;
	[smem:$0x7E2] =	sst s22;
	s29 =	spop (v2sf)  }
0xa7: {  	s13 =	sand.u32 $0x1FFFFFF0, s13;
	s9 =	sadd.s32 s14, s5;
	s19 =	spop (v2sf)  }
0xa8: {  	s5 =	sadd.s32 s26, s5;
	s18 =	sand.u32 $0x1FFFFFF0, s18;
	s20 =	spop (v2sf)  }
0xa9: {  	[smem:$0x7F2] =	sst s5;
	s10 =	sadd.s32 s26, s13;
	s7 =	spop (v2sf)  }
0xaa: {  	s8 =	sand.u32 $0x1FFFFFF0, s29;
	s19 =	sand.u32 $0x1FFFFFF0, s19;
	s6 =	spop (v2sf)  }
0xab: {  	s20 =	sand.u32 $0x1FFFFFF0, s20;
	s5 =	sadd.s32 s14, s19;
	s0 =	spop (v2sf)  }
0xac: {  	s16 =	sadd.s32 s14, s20;
	s29 =	sand.u32 $0x1FFFFFF0, s7;
	s11 =	spop (v2sf)  }
0xad: {  	s12 =	spop (v2sf);
	s30 =	sand.u32 $0x1FFFFFF0, s11;
	s11 =	sadd.s32 s14, s2  }
0xae: {  	s15 =	spop (v2sf);
	s7 =	sand.u32 $0x1FFFFFF0, s12;
	[smem:$0x7F6] =	sst s11  }
0xaf: {  	s12 =	sadd.s32 s26, s2;
	s11 =	sadd.s32 s26, s18;
	s17 =	spop (v2sf)  }
0xb0: {  	[smem:$0x7EC] =	sst s12;
	s12 =	sadd.s32 s14, s18;
	s18 =	sadd.s32 s26, s19  }
0xb1: {  	s19 =	sadd.s32 s26, s20;
	s20 =	sld [smem:$0x7DA];
	s25 =	spop (v2sf)  }
0xb2: {  	[smem:$0x7E5] =	sst s10;
	s31 =	sand.u32 $0x1FFFFFF0, s25  }
0xb3: {  	[smem:$0x7F1] =	sst s16;
	s10 =	sadd.s32 s14, s31  }
0xb4: {  	[tilespmem:s20], [sflag:$0x1] =	stream.linear.gather [hbm4b:s10+s4], $0x80, $0x38;
	[tilespmem:$0xC200] =	vst v63  }
0xb5: {  	s1 =	sand.u32 $0x1FFFFFF0, s17;
	s20 =	sld [smem:$0x7DB]  }
0xb6: {  	s17 =	sand.u32 $0x1FFFFFF0, s15;
	s15 =	sadd.s32 s26, s29;
	[smem:$0x7F4] =	sst s19  }
0xb7: {  	[smem:$0x7F0] =	sst s15;
	s31 =	sadd.s32 s26, s31  }
0xb8: {  	[spmem:s20], [sflag:s24] =	dma.local [hbm:s31], $0x10  }
0xb9: {  	s10 =	smov.u32 s9;
	s9 =	sld [smem:$0x7DD]  }
0xba: {  	s28 =	sand.u32 $0x1FFFFFF0, s6;
	s31 =	sld [smem:$0x7DC]  }
0xbb: {  	s6 =	sadd.s32 s26, s1;
	s1 =	sadd.s32 s14, s1;
	s20 =	sld [smem:$0x7DF]  }
0xbc: {  	[tilespmem:s9], [sflag:$0x1] =	stream.linear.gather [hbm4b:s1+s4], $0x80, $0x38;
	[tilespmem:$0xC200] =	vst v63  }
0xbd: {  	s1 =	sld [smem:$0x7DE]  }
0xbe: {  	[spmem:s20], [sflag:s24] =	dma.local [hbm:s6], $0x10  }
0xbf: {  	s21 =	sadd.s32 s26, s8;
	s16 =	sadd.s32 s14, s7;
	s9 =	sld [smem:$0x7E1]  }
0xc0: {  	s25 =	sadd.s32 s14, s8;
	s8 =	sadd.s32 s26, s7;
	s20 =	sld [smem:$0x7E2]  }
0xc1: {  	s7 =	sadd.s32 s14, s17;
	s17 =	sadd.s32 s26, s17;
	s6 =	sld [smem:$0x7E0]  }
0xc2: {  	[tilespmem:s9], [sflag:$0x1] =	stream.linear.gather [hbm4b:s7+s4], $0x80, $0x38;
	[tilespmem:$0xC200] =	vst v63  }
0xc3: {  	[spmem:s20], [sflag:s24] =	dma.local [hbm:s17], $0x10  }
0xc4: {  	s7 =	sld [smem:$0x7E4]  }
0xc5: {  	s17 =	sld [smem:$0x7E3]  }
0xc6: {  	s9 =	sld [smem:$0x7E6]  }
0xc7: {  	[tilespmem:s7], [sflag:$0x1] =	stream.linear.gather [hbm4b:s16+s4], $0x80, $0x38;
	[tilespmem:$0xC200] =	vst v63  }
0xc8: {  	s16 =	sld [smem:$0x7E5]  }
0xc9: {  	[spmem:s9], [sflag:s24] =	dma.local [hbm:s8], $0x10  }
0xca: {  	s7 =	sld [smem:$0x7E8]  }
0xcb: {  	s19 =	sadd.s32 s26, s28;
	s15 =	sadd.s32 s14, s28;
	s8 =	sld [smem:$0x7E7]  }
0xcc: {  	s28 =	sadd.s32 s26, s30;
	s30 =	sadd.s32 s14, s30;
	s20 =	sld [smem:$0x7E9]  }
0xcd: {  	[tilespmem:s7], [sflag:$0x1] =	stream.linear.gather [hbm4b:s30+s4], $0x80, $0x38;
	[tilespmem:$0xC200] =	vst v63  }
0xce: {  	s30 =	rddreg [dreg:$0x17]  }
0xcf: {  	[spmem:s20], [sflag:s24] =	dma.local [hbm:s28], $0x10  }
0xd0: {  	s3 =	sadd.s32 $0x10, s3;
	s7 =	sld [smem:$0x7EA]  }
0xd1: {  	p0 =	slt.u32 s3, $0xF0;
	s0 =	sand.u32 $0x1FFFFFF0, s0  }
0xd2: {  	s2 =	smov.u32 s3;
	s3 =	sadd.s32 s14, s0;
	s28 =	sld [smem:$0x7EB]  }
0xd3: {  	[tilespmem:s7], [sflag:$0x1] =	stream.linear.gather [hbm4b:s3+s4], $0x80, $0x38;
	[tilespmem:$0xC200] =	vst v63  }
0xd4: {  	s0 =	sadd.s32 s26, s0;
	s3 =	smov.u32 s2;
	s2 =	rddreg [dreg:$0x19]  }
0xd5: {  	[spmem:s28], [sflag:s24] =	dma.local [hbm:s0], $0x10  }
0xd6: {  	s0 =	rddreg [dreg:$0x1c]  }
0xd7: {  	s7 =	rddreg [dreg:$0x1f]  }
0xd8: {  	s9 =	sld [smem:$0x7ED]  }
0xd9: {  	[tilespmem:s7], [sflag:$0x1] =	stream.linear.gather [hbm4b:s15+s4], $0x80, $0x38;
	[tilespmem:$0xC200] =	vst v63  }
0xda: {  	s15 =	sld [smem:$0x7EC]  }
0xdb: {  	[spmem:s9], [sflag:s24] =	dma.local [hbm:s19], $0x10  }
0xdc: {  	s9 =	sld [smem:$0x7EE]  }
0xdd: {  	s7 =	rddreg [dreg:$0x15]  }
0xde: {  	s20 =	sld [smem:$0x7EF]  }
0xdf: {  	s29 =	sadd.s32 s14, s29;
	s19 =	sld [smem:$0x7F0]  }
0xe0: {  	[tilespmem:s7], [sflag:$0x1] =	stream.linear.gather [hbm4b:s29+s4], $0x80, $0x38;
	[tilespmem:$0xC200] =	vst v63  }
0xe1: {  	s29 =	rddreg [dreg:$0x12]  }
0xe2: {  	[spmem:s20], [sflag:s24] =	dma.local [hbm:s19], $0x10  }
0xe3: {  	s28 =	sld [smem:$0x7F1]  }
0xe4: {  	s7 =	rddreg [dreg:$0x14]  }
0xe5: {  	s20 =	sld [smem:$0x7F3]  }
0xe6: {  	[tilespmem:s7], [sflag:$0x1] =	stream.linear.gather [hbm4b:s28+s4], $0x80, $0x38;
	[tilespmem:$0xC200] =	vst v63  }
.Ltmp0:
0xe7: {  	s28 =	sld [smem:$0x7F4];
	(pc) =	sbr.rel @p0 .LBB2_2-.Ltmp0, $4  }
0xe8: {  	s19 =	rddreg [dreg:$0x6]  }
0xe9: {  	s22 =	sadd.s32 s14, s13;
	s23 =	sand.u32 $0x1FFFFFF0, s23;
	s7 =	sld [smem:$0x7F2]  }
0xea: {  	[spmem:s20], [sflag:s24] =	dma.local [hbm:s28], $0x10  }
0xeb: {  	s13 =	sadd.s32 s14, s23;
	s23 =	sadd.s32 s26, s23;
	s20 =	rddreg [dreg:$0x7]  }
0xec: {  	[tilespmem:s0], [sflag:$0x1] =	stream.linear.gather [hbm4b:s5+s4], $0x80, $0x38;
	[tilespmem:$0xC200] =	vst v63  }
0xed: {  	s0 =	rddreg [dreg:$0x5]  }
0xee: {  	s3 =	rddreg [dreg:$0x1e]  }
0xef: {  	[spmem:s3], [sflag:s0] =	dma.local [hbm:s18], $0x10  }
0xf0: {  	[tilespmem:s6], [sflag:$0x1] =	stream.linear.gather [hbm4b:s25+s4], $0x80, $0x38;
	[tilespmem:$0xC200] =	vst v63  }
0xf1: {  	s3 =	rddreg [dreg:$0x1a]  }
0xf2: {  	[spmem:s3], [sflag:s0] =	dma.local [hbm:s21], $0x10  }
0xf3: {  	[tilespmem:s2], [sflag:$0x1] =	stream.linear.gather [hbm4b:s13+s4], $0x80, $0x38;
	[tilespmem:$0xC200] =	vst v63  }
0xf4: {  	s2 =	rddreg [dreg:$0x11]  }
0xf5: {  	[spmem:s2], [sflag:s0] =	dma.local [hbm:s23], $0x10  }
0xf6: {  	[tilespmem:s1], [sflag:$0x1] =	stream.linear.gather [hbm4b:s12+s4], $0x80, $0x38;
	[tilespmem:$0xC200] =	vst v63  }
0xf7: {  	[spmem:s8], [sflag:s0] =	dma.local [hbm:s11], $0x10  }
0xf8: {  	[tilespmem:s30], [sflag:$0x1] =	stream.linear.gather [hbm4b:s22+s4], $0x80, $0x38;
	[tilespmem:$0xC200] =	vst v63  }
0xf9: {  	[spmem:s31], [sflag:s0] =	dma.local [hbm:s16], $0x10  }
0xfa: {  	s16 =	sld [smem:$0x7F6];
	_ =	sdelay $0x2  }
0xfb: {  	[tilespmem:s29], [sflag:$0x1] =	stream.linear.gather [hbm4b:s16+s4], $0x80, $0x38;
	[tilespmem:$0xC200] =	vst v63  }
0xfc: {  	[spmem:s9], [sflag:s0] =	dma.local [hbm:s15], $0x10  }
0xfd: {  	s19 =	simm.s32 $0x1;
	s18 =	rddreg [dreg:$0x16]  }
0xfe: {  	[tilespmem:s18], [sflag:$0x1] =	stream.linear.gather [hbm4b:s10+s4], $0x80, $0x38;
	[tilespmem:$0xC200] =	vst v63  }
0xff: {  	[spmem:s17], [sflag:s0] =	dma.local [hbm:s7], $0x10  }
0x100: {  	_ =	swait.ge [sflag:s19], $0x8000  }
0x101: {  	[sflag:s19] =	ssyncset.done $0x0  }
0x102: {  	s20 =	simm.s32 $0x2;
	[sflag:s19] =	ssyncadd.s32 $0xFFFF8000  }
0x103: {  	_ =	swait.ge [sflag:s20], $0x1000  }
0x104: {  	s21 =	sld [smem:$0x7F8]  }
0x105: {  	s23 =	simm.s32 $0x3;
	[sflag:s20] =	ssyncset.done $0x0  }
0x106: {  	s22 =	simm.s32 $0x200;
	s18 =	simm.s32 $0x0;
	[sflag:s20] =	ssyncadd.s32 $0xFFFFF000  }
0x107: {  	[hbm4b:s21+s18] =	stream.linear.scatter [tilespmem:s22], [sflag:$0x3], $0x8000, $0x38;
	[tilespmem:$0xC200] =	vst v63  }
0x108: {  	_ =	swait.ge [sflag:s23], $0x8000  }
0x109: {  	s24 =	sld [smem:$0x7FD]  }
0x10a: {  	s28 =	rddreg [dreg:$0x4]  }
0x10b: {  	s30 =	sld [smem:$0x7F9];
	s29 =	sshrl.u32 s28, $0x3  }
0x10c: {  	[sflag:s23] =	ssyncset.done $0x0;
	[smem:$0x7D9] =	sst s29;
	s25 =	sor.u32 $0x1C03, s24  }
0x10d: {  	[sflag:s23] =	ssyncadd.s32 $0xFFFF8000;
	[smem:$0x7D8] =	sst s25  }
0x10e: {  	[hbm:s30], [sflag:s25] =	dma.local [spmem:s29], $0x1000  }
0x10f: {  	_ =	swait.ge [sflag:s23], $0x1000  }
0x110: {  	s2 =	simm.s32 $0x0;
	[sflag:s23] =	ssyncset.done $0x0  }
0x111: {  	s31 =	sand.u32 $0xF0, s2;
	[sflag:s23] =	ssyncadd.s32 $0xFFFFF000  }
0x112: {  	v0 =	vld [tilespmem:s31+$0x100];
	_ =	sdelay $0x4  }
0x113: {  	v0 =	vshll.u32 v0, $0x4  }
0x114: {  	(v2sf) =	vpush v0, $0xF  }
0x115: {  	(v2sf) =	vpush v0, $0xE  }
0x116: {  	(v2sf) =	vpush v0, $0xD  }
0x117: {  	(v2sf) =	vpush v0, $0xC  }
0x118: {  	(v2sf) =	vpush v0, $0xB  }
0x119: {  	(v2sf) =	vpush v0, $0xA  }
0x11a: {  	(v2sf) =	vpush v0, $0x9  }
0x11b: {  	(v2sf) =	vpush v0, $0x8  }
.LBB2_4:
0x11c: {  	[dreg:$0x8] =	wrdreg s18  }
0x11d: {  	s2 =	sadd.s32 $0x10, s2;
	s19 =	rddreg [dreg:$0x4]  }
0x11e: {  	s0 =	sshra.s32 s18, $0x2;
	[dreg:$0x9] =	wrdreg s2;
	s1 =	sand.u32 $0xF0, s2  }
0x11f: {  	s5 =	sadd.s32 $0x980, s0;
	[dreg:$0xe] =	wrdreg s1  }
0x120: {  	s6 =	sadd.s32 $0x800, s0;
	[dreg:$0xa] =	wrdreg s5  }
0x121: {  	s7 =	sadd.s32 $0x880, s0;
	[dreg:$0xd] =	wrdreg s6  }
0x122: {  	s8 =	sadd.s32 $0x900, s0;
	[dreg:$0xc] =	wrdreg s7  }
0x123: {  	s9 =	sadd.s32 $0x680, s0;
	[dreg:$0xb] =	wrdreg s8  }
0x124: {  	s10 =	sadd.s32 $0x700, s0;
	[dreg:$0x13] =	wrdreg s9  }
0x125: {  	s11 =	sadd.s32 $0x780, s0;
	[dreg:$0x10] =	wrdreg s10  }
0x126: {  	s12 =	sadd.s32 $0x500, s0;
	[dreg:$0xf] =	wrdreg s11  }
0x127: {  	s13 =	sadd.s32 $0x580, s0;
	[dreg:$0x1d] =	wrdreg s12  }
0x128: {  	s15 =	sadd.s32 $0x600, s0;
	[dreg:$0x1b] =	wrdreg s13  }
0x129: {  	s16 =	sadd.s32 $0x380, s0;
	[dreg:$0x18] =	wrdreg s15  }
0x12a: {  	s17 =	sadd.s32 $0x400, s0;
	[smem:$0x7C2] =	sst s16  }
0x12b: {  	s18 =	sadd.s32 $0x480, s0;
	[smem:$0x7C4] =	sst s17  }
0x12c: {  	s20 =	sadd.s32 $0x280, s0;
	[smem:$0x7C6] =	sst s18  }
0x12d: {  	s21 =	sadd.s32 $0x300, s0;
	[smem:$0x7BF] =	sst s20  }
0x12e: {  	s1 =	sadd.s32 s0, s19;
	[smem:$0x7C0] =	sst s21;
	s0 =	sadd.s32 $0x200, s0  }
0x12f: {  	[smem:$0x7BD] =	sst s0;
	s22 =	sadd.s32 $0x780, s1  }
0x130: {  	s5 =	sadd.s32 $0x680, s1;
	s6 =	sadd.s32 $0x700, s1;
	s8 =	sadd.s32 $0x580, s1  }
0x131: {  	s9 =	sadd.s32 $0x600, s1;
	s10 =	sadd.s32 $0x480, s1;
	s13 =	sadd.s32 $0x500, s1  }
0x132: {  	s16 =	sadd.s32 $0x380, s1;
	s18 =	sadd.s32 $0x400, s1;
	s23 =	sadd.s32 $0x280, s1  }
0x133: {  	s25 =	sadd.s32 $0x300, s1;
	s30 =	sadd.s32 $0x180, s1;
	s31 =	sadd.s32 $0x200, s1  }
0x134: {  	s28 =	sadd.s32 $0x80, s1;
	s3 =	sadd.s32 $0x100, s1;
	s1 =	sshrl.u32 s1, $0x3  }
0x135: {  	[smem:$0x7BE] =	sst s1;
	s4 =	sshrl.u32 s22, $0x3;
	s20 =	sshrl.u32 s13, $0x3  }
0x136: {  	s13 =	sshrl.u32 s25, $0x3;
	s25 =	sshrl.u32 s28, $0x3;
	s28 =	sld [smem:$0x7BD]  }
0x137: {  	s5 =	sshrl.u32 s5, $0x3;
	[smem:$0x7D6] =	sst s4  }
0x138: {  	s6 =	sshrl.u32 s6, $0x3;
	[smem:$0x7D0] =	sst s5  }
0x139: {  	s15 =	sshrl.u32 s9, $0x3;
	[smem:$0x7D3] =	sst s6  }
0x13a: {  	s17 =	sshrl.u32 s10, $0x3;
	[smem:$0x7CE] =	sst s15  }
0x13b: {  	[smem:$0x7CB] =	sst s17  }
0x13c: {  	(v2sf) =	vpush v0, $0x7;
	s22 =	sshrl.u32 s16, $0x3;
	[smem:$0x7CC] =	sst s20  }
0x13d: {  	(v2sf) =	vpush v0, $0x6;
	s10 =	sshrl.u32 s23, $0x3;
	[smem:$0x7C9] =	sst s22  }
0x13e: {  	p0 =	slt.u32 s2, $0xF0;
	(v2sf) =	vpush v0, $0x5;
	[smem:$0x7C7] =	sst s10  }
0x13f: {  	(v2sf) =	vpush v0, $0x4;
	s0 =	spop (v2sf);
	s3 =	sshrl.u32 s3, $0x3;
	[smem:$0x7C8] =	sst s13  }
0x140: {  	(v2sf) =	vpush v0, $0x3;
	s7 =	spop (v2sf);
	s4 =	sshrl.u32 s8, $0x3;
	[smem:$0x7C1] =	sst s3  }
0x141: {  	s0 =	sand.u32 $0x1FFFFFF0, s0;
	s5 =	sshrl.u32 s18, $0x3;
	[smem:$0x7CD] =	sst s4  }
0x142: {  	(v2sf) =	vpush v0, $0x2;
	s12 =	spop (v2sf);
	s17 =	sshrl.u32 s30, $0x3;
	[smem:$0x7CA] =	sst s5  }
0x143: {  	s20 =	sshrl.u32 s31, $0x3;
	s7 =	sand.u32 $0x1FFFFFF0, s7;
	(v2sf) =	vpush v0, $0x1;
	[smem:$0x7C3] =	sst s17  }
0x144: {  	s11 =	spop (v2sf);
	[smem:$0x7C5] =	sst s20;
	s10 =	sadd.s32 s14, s7;
	(v2sf) =	vpush v0, $0x0  }
0x145: {  	s30 =	sand.u32 $0x1FFFFFF0, s12;
	s13 =	sadd.s32 s26, s7;
	[smem:$0x7D2] =	sst s10  }
0x146: {  	s19 =	spop (v2sf);
	s31 =	sand.u32 $0x1FFFFFF0, s11;
	[smem:$0x7D4] =	sst s13  }
0x147: {  	s16 =	sadd.s32 s14, s30;
	s18 =	sadd.s32 s14, s31;
	s23 =	sadd.s32 s26, s31  }
0x148: {  	[smem:$0x7CF] =	sst s16;
	s16 =	smov.u32 s14;
	s29 =	spop (v2sf)  }
0x149: {  	s21 =	spop (v2sf);
	s12 =	sand.u32 $0x1FFFFFF0, s29;
	s29 =	sand.u32 $0x1FFFFFF0, s19  }
0x14a: {  	s5 =	sand.u32 $0x1FFFFFF0, s21;
	s31 =	sadd.s32 s26, s12;
	s24 =	spop (v2sf)  }
0x14b: {  	s12 =	sadd.s32 s14, s12;
	s10 =	sadd.s32 s14, s5;
	s1 =	spop (v2sf)  }
0x14c: {  	s13 =	sadd.s32 s26, s5;
	s24 =	sand.u32 $0x1FFFFFF0, s24;
	s2 =	spop (v2sf)  }
0x14d: {  	s19 =	sand.u32 $0x1FFFFFF0, s1;
	s9 =	spop (v2sf);
	s2 =	sand.u32 $0x1FFFFFF0, s2  }
0x14e: {  	s6 =	spop (v2sf);
	s20 =	sand.u32 $0x1FFFFFF0, s9;
	s9 =	sadd.s32 s26, s30  }
0x14f: {  	s30 =	sadd.s32 s14, s29;
	s7 =	sadd.s32 s26, s2;
	s8 =	spop (v2sf)  }
0x150: {  	s11 =	sand.u32 $0x1FFFFFF0, s6;
	[smem:$0x7D1] =	sst s9;
	s9 =	sadd.s32 s14, s24  }
0x151: {  	s6 =	sadd.s32 s14, s2;
	s5 =	sadd.s32 s14, s20;
	s15 =	spop (v2sf)  }
0x152: {  	s2 =	sadd.s32 s26, s11;
	s21 =	sadd.s32 s14, s11;
	s22 =	spop (v2sf)  }
0x153: {  	s4 =	sand.u32 $0x1FFFFFF0, s15;
	s3 =	spop (v2sf);
	s17 =	sand.u32 $0x1FFFFFF0, s22  }
0x154: {  	s22 =	sand.u32 $0x1FFFFFF0, s8;
	s8 =	sadd.s32 s14, s0;
	s0 =	sadd.s32 s26, s0  }
0x155: {  	s11 =	sadd.s32 s26, s4;
	s15 =	sand.u32 $0x1FFFFFF0, s3;
	[smem:$0x7D5] =	sst s8  }
0x156: {  	[smem:$0x7D7] =	sst s0;
	s8 =	sadd.s32 s26, s19;
	s19 =	sadd.s32 s14, s19  }
0x157: {  	s1 =	sadd.s32 s14, s22;
	s3 =	sadd.s32 s26, s17;
	s0 =	sadd.s32 s14, s4  }
0x158: {  	s17 =	sadd.s32 s14, s17;
	s4 =	sadd.s32 s14, s15;
	s14 =	simm.s32 $0x0  }
0x159: {  	[tilespmem:s28], [sflag:$0x1] =	stream.linear.gather [hbm4b:s4+s14], $0x80, $0x38;
	[tilespmem:$0xC200] =	vst v63  }
0x15a: {  	s28 =	sld [smem:$0x7BE];
	_ =	sdelay $0x1  }
0x15b: {  	s15 =	sadd.s32 s26, s15;
	s4 =	rddreg [dreg:$0x5]  }
0x15c: {  	[spmem:s28], [sflag:s4] =	dma.local [hbm:s15], $0x10  }
0x15d: {  	s15 =	sld [smem:$0x7BF];
	_ =	sdelay $0x2  }
0x15e: {  	[tilespmem:s15], [sflag:$0x1] =	stream.linear.gather [hbm4b:s17+s14], $0x80, $0x38;
	[tilespmem:$0xC200] =	vst v63  }
0x15f: {  	[spmem:s25], [sflag:s4] =	dma.local [hbm:s3], $0x10  }
0x160: {  	s3 =	sld [smem:$0x7C0]  }
0x161: {  	s28 =	sld [smem:$0x7C1];
	_ =	sdelay $0x1  }
0x162: {  	[tilespmem:s3], [sflag:$0x1] =	stream.linear.gather [hbm4b:s0+s14], $0x80, $0x38;
	[tilespmem:$0xC200] =	vst v63  }
0x163: {  	[spmem:s28], [sflag:s4] =	dma.local [hbm:s11], $0x10  }
0x164: {  	s0 =	sld [smem:$0x7C2];
	_ =	sdelay $0x2  }
0x165: {  	[tilespmem:s0], [sflag:$0x1] =	stream.linear.gather [hbm4b:s1+s14], $0x80, $0x38;
	[tilespmem:$0xC200] =	vst v63  }
0x166: {  	s1 =	sld [smem:$0x7C3];
	_ =	sdelay $0x1  }
0x167: {  	s22 =	sadd.s32 s26, s22  }
0x168: {  	[spmem:s1], [sflag:s4] =	dma.local [hbm:s22], $0x10  }
0x169: {  	s0 =	sld [smem:$0x7C4]  }
0x16a: {  	s3 =	sld [smem:$0x7C5];
	_ =	sdelay $0x1  }
0x16b: {  	[tilespmem:s0], [sflag:$0x1] =	stream.linear.gather [hbm4b:s21+s14], $0x80, $0x38;
	[tilespmem:$0xC200] =	vst v63  }
0x16c: {  	[spmem:s3], [sflag:s4] =	dma.local [hbm:s2], $0x10  }
0x16d: {  	s0 =	sld [smem:$0x7C6];
	_ =	sdelay $0x2  }
0x16e: {  	[tilespmem:s0], [sflag:$0x1] =	stream.linear.gather [hbm4b:s5+s14], $0x80, $0x38;
	[tilespmem:$0xC200] =	vst v63  }
0x16f: {  	s5 =	sld [smem:$0x7C7];
	_ =	sdelay $0x1  }
0x170: {  	s20 =	sadd.s32 s26, s20;
	s2 =	rddreg [dreg:$0x9]  }
0x171: {  	[spmem:s5], [sflag:s4] =	dma.local [hbm:s20], $0x10  }
0x172: {  	s0 =	rddreg [dreg:$0x1d]  }
0x173: {  	[tilespmem:s0], [sflag:$0x1] =	stream.linear.gather [hbm4b:s6+s14], $0x80, $0x38;
	[tilespmem:$0xC200] =	vst v63  }
0x174: {  	s6 =	sld [smem:$0x7C8];
	_ =	sdelay $0x2  }
0x175: {  	[spmem:s6], [sflag:s4] =	dma.local [hbm:s7], $0x10  }
0x176: {  	s7 =	sld [smem:$0x7C9]  }
0x177: {  	s0 =	rddreg [dreg:$0x1b]  }
0x178: {  	[tilespmem:s0], [sflag:$0x1] =	stream.linear.gather [hbm4b:s19+s14], $0x80, $0x38;
	[tilespmem:$0xC200] =	vst v63  }
0x179: {  	[spmem:s7], [sflag:s4] =	dma.local [hbm:s8], $0x10  }
0x17a: {  	s11 =	sld [smem:$0x7CA]  }
0x17b: {  	s24 =	sadd.s32 s26, s24;
	s0 =	rddreg [dreg:$0x18]  }
0x17c: {  	[tilespmem:s0], [sflag:$0x1] =	stream.linear.gather [hbm4b:s9+s14], $0x80, $0x38;
	[tilespmem:$0xC200] =	vst v63  }
0x17d: {  	[spmem:s11], [sflag:s4] =	dma.local [hbm:s24], $0x10  }
0x17e: {  	s0 =	rddreg [dreg:$0x13]  }
0x17f: {  	s17 =	sld [smem:$0x7CB]  }
0x180: {  	s15 =	rddreg [dreg:$0xe]  }
0x181: {  	[tilespmem:s0], [sflag:$0x1] =	stream.linear.gather [hbm4b:s10+s14], $0x80, $0x38;
	[tilespmem:$0xC200] =	vst v63  }
0x182: {  	v0 =	vld [tilespmem:s15+$0x100];
	[spmem:s17], [sflag:s4] =	dma.local [hbm:s13], $0x10  }
0x183: {  	s19 =	sld [smem:$0x7CC]  }
0x184: {  	s0 =	rddreg [dreg:$0x10]  }
0x185: {  	[tilespmem:s0], [sflag:$0x1] =	stream.linear.gather [hbm4b:s12+s14], $0x80, $0x38;
	[tilespmem:$0xC200] =	vst v63  }
0x186: {  	[spmem:s19], [sflag:s4] =	dma.local [hbm:s31], $0x10  }
0x187: {  	s20 =	sld [smem:$0x7CD]  }
0x188: {  	s29 =	sadd.s32 s26, s29;
	s0 =	rddreg [dreg:$0xf]  }
0x189: {  	[tilespmem:s0], [sflag:$0x1] =	stream.linear.gather [hbm4b:s30+s14], $0x80, $0x38;
	[tilespmem:$0xC200] =	vst v63  }
0x18a: {  	[spmem:s20], [sflag:s4] =	dma.local [hbm:s29], $0x10  }
0x18b: {  	s0 =	rddreg [dreg:$0xd]  }
0x18c: {  	s22 =	sld [smem:$0x7CE]  }
0x18d: {  	v0 =	vshll.u32 v0, $0x4;
	s21 =	rddreg [dreg:$0x8]  }
0x18e: {  	(v2sf) =	vpush v0, $0xF;
	[tilespmem:s0], [sflag:$0x1] =	stream.linear.gather [hbm4b:s18+s14], $0x80, $0x38;
	[tilespmem:$0xC200] =	vst v63  }
0x18f: {  	[spmem:s22], [sflag:s4] =	dma.local [hbm:s23], $0x10  }
0x190: {  	s23 =	sld [smem:$0x7CF]  }
0x191: {  	s24 =	sld [smem:$0x7D0]  }
0x192: {  	s25 =	sld [smem:$0x7D1]  }
0x193: {  	(v2sf) =	vpush v0, $0xE;
	s0 =	rddreg [dreg:$0xc]  }
0x194: {  	(v2sf) =	vpush v0, $0xD;
	[tilespmem:s0], [sflag:$0x1] =	stream.linear.gather [hbm4b:s23+s14], $0x80, $0x38;
	[tilespmem:$0xC200] =	vst v63  }
0x195: {  	[spmem:s24], [sflag:s4] =	dma.local [hbm:s25], $0x10  }
0x196: {  	s1 =	sld [smem:$0x7D2]  }
0x197: {  	s28 =	sld [smem:$0x7D3]  }
0x198: {  	s29 =	sld [smem:$0x7D4]  }
0x199: {  	(v2sf) =	vpush v0, $0xC;
	s0 =	rddreg [dreg:$0xb]  }
0x19a: {  	(v2sf) =	vpush v0, $0xB;
	[tilespmem:s0], [sflag:$0x1] =	stream.linear.gather [hbm4b:s1+s14], $0x80, $0x38;
	[tilespmem:$0xC200] =	vst v63  }
0x19b: {  	[spmem:s28], [sflag:s4] =	dma.local [hbm:s29], $0x10  }
0x19c: {  	s1 =	sld [smem:$0x7D5]  }
0x19d: {  	s30 =	sld [smem:$0x7D6]  }
.Ltmp1:
0x19e: {  	s31 =	sld [smem:$0x7D7];
	(pc) =	sbr.rel @p0 .LBB2_4-.Ltmp1, $4  }
0x19f: {  	(v2sf) =	vpush v0, $0xA;
	s0 =	rddreg [dreg:$0xa]  }
0x1a0: {  	(v2sf) =	vpush v0, $0x9;
	[tilespmem:s0], [sflag:$0x1] =	stream.linear.gather [hbm4b:s1+s14], $0x80, $0x38;
	[tilespmem:$0xC200] =	vst v63  }
0x1a1: {  	[spmem:s30], [sflag:s4] =	dma.local [hbm:s31], $0x10  }
0x1a2: {  	s18 =	sadd.s32 $0x2000, s21;
	s14 =	smov.u32 s16;
	(v2sf) =	vpush v0, $0x8  }
0x1a3: {  	(v2sf) =	vpush v0, $0x7  }
0x1a4: {  	(v2sf) =	vpush v0, $0x6  }
0x1a5: {  	(v2sf) =	vpush v0, $0x5  }
0x1a6: {  	(v2sf) =	vpush v0, $0x4  }
0x1a7: {  	(v2sf) =	vpush v0, $0x3  }
0x1a8: {  	(v2sf) =	vpush v0, $0x2  }
0x1a9: {  	(v2sf) =	vpush v0, $0x1  }
0x1aa: {  	s0 =	spop (v2sf);
	(v2sf) =	vpush v0, $0x0  }
0x1ab: {  	s2 =	spop (v2sf)  }
0x1ac: {  	s7 =	spop (v2sf)  }
0x1ad: {  	s8 =	spop (v2sf)  }
0x1ae: {  	s9 =	spop (v2sf)  }
0x1af: {  	s10 =	spop (v2sf)  }
0x1b0: {  	s13 =	spop (v2sf)  }
0x1b1: {  	s5 =	spop (v2sf)  }
0x1b2: {  	s12 =	spop (v2sf)  }
0x1b3: {  	s3 =	spop (v2sf)  }
0x1b4: {  	s1 =	sshra.s32 s18, $0x2;
	s20 =	simm.s32 $0x0;
	s4 =	spop (v2sf)  }
0x1b5: {  	s25 =	sadd.s32 $0x200, s1;
	s29 =	sadd.s32 $0x280, s1;
	s11 =	spop (v2sf)  }
0x1b6: {  	s0 =	sand.u32 $0x1FFFFFF0, s0;
	s2 =	sand.u32 $0x1FFFFFF0, s2;
	s15 =	spop (v2sf)  }
0x1b7: {  	s3 =	sand.u32 $0x1FFFFFF0, s3;
	s4 =	sand.u32 $0x1FFFFFF0, s4;
	s16 =	spop (v2sf)  }
0x1b8: {  	s11 =	sand.u32 $0x1FFFFFF0, s11;
	s15 =	sand.u32 $0x1FFFFFF0, s15;
	s17 =	spop (v2sf)  }
0x1b9: {  	s16 =	sand.u32 $0x1FFFFFF0, s16;
	s6 =	spop (v2sf);
	s17 =	sand.u32 $0x1FFFFFF0, s17  }
0x1ba: {  	s22 =	sadd.s32 s14, s16;
	s16 =	sadd.s32 s26, s16;
	s24 =	sand.u32 $0x1FFFFFF0, s6  }
0x1bb: {  	s30 =	sadd.s32 s14, s17;
	s17 =	sadd.s32 s26, s17;
	s19 =	sadd.s32 s14, s24  }
0x1bc: {  	[tilespmem:s25], [sflag:$0x1] =	stream.linear.gather [hbm4b:s19+s20], $0x80, $0x38;
	[tilespmem:$0xC200] =	vst v63  }
0x1bd: {  	s18 =	sadd.s32 s26, s24;
	s24 =	sadd.s32 $0x380, s1;
	s6 =	rddreg [dreg:$0x4]  }
0x1be: {  	s19 =	sadd.s32 $0x300, s1;
	s25 =	sadd.s32 s14, s15;
	s6 =	sadd.s32 s1, s6  }
0x1bf: {  	s21 =	rddreg [dreg:$0x5];
	s28 =	sshrl.u32 s6, $0x3;
	s31 =	sadd.s32 $0x80, s6  }
0x1c0: {  	[spmem:s28], [sflag:s21] =	dma.local [hbm:s18], $0x10  }
0x1c1: {  	s15 =	sadd.s32 s26, s15;
	s23 =	sadd.s32 $0x100, s6;
	s18 =	sshrl.u32 s31, $0x3  }
0x1c2: {  	[tilespmem:s29], [sflag:$0x1] =	stream.linear.gather [hbm4b:s30+s20], $0x80, $0x38;
	[tilespmem:$0xC200] =	vst v63  }
0x1c3: {  	s28 =	sadd.s32 $0x180, s6;
	s31 =	sadd.s32 $0x200, s6;
	s29 =	sadd.s32 $0x400, s1  }
0x1c4: {  	[spmem:s18], [sflag:s21] =	dma.local [hbm:s17], $0x10  }
0x1c5: {  	s30 =	sadd.s32 s14, s11;
	s11 =	sadd.s32 s26, s11;
	s17 =	sshrl.u32 s23, $0x3  }
0x1c6: {  	[tilespmem:s19], [sflag:$0x1] =	stream.linear.gather [hbm4b:s22+s20], $0x80, $0x38;
	[tilespmem:$0xC200] =	vst v63  }
0x1c7: {  	s18 =	sadd.s32 $0x280, s6;
	s23 =	sadd.s32 $0x300, s6;
	s19 =	sadd.s32 $0x500, s1  }
0x1c8: {  	[spmem:s17], [sflag:s21] =	dma.local [hbm:s16], $0x10  }
0x1c9: {  	s22 =	sadd.s32 s14, s3;
	s3 =	sadd.s32 s26, s3;
	s16 =	sshrl.u32 s28, $0x3  }
0x1ca: {  	[tilespmem:s24], [sflag:$0x1] =	stream.linear.gather [hbm4b:s25+s20], $0x80, $0x38;
	[tilespmem:$0xC200] =	vst v63  }
0x1cb: {  	s17 =	sadd.s32 s14, s4;
	s4 =	sadd.s32 s26, s4;
	s24 =	sand.u32 $0x1FFFFFF0, s12  }
0x1cc: {  	[spmem:s16], [sflag:s21] =	dma.local [hbm:s15], $0x10  }
0x1cd: {  	s25 =	sadd.s32 $0x580, s1;
	s12 =	sadd.s32 $0x400, s6;
	s15 =	sshrl.u32 s31, $0x3  }
0x1ce: {  	s16 =	sadd.s32 $0x480, s1;
	s28 =	sadd.s32 s14, s24;
	s31 =	sadd.s32 s26, s24  }
0x1cf: {  	[tilespmem:s29], [sflag:$0x1] =	stream.linear.gather [hbm4b:s30+s20], $0x80, $0x38;
	[tilespmem:$0xC200] =	vst v63  }
0x1d0: {  	s24 =	sadd.s32 $0x500, s6;
	s29 =	sadd.s32 $0x380, s6;
	s30 =	sand.u32 $0x1FFFFFF0, s5  }
0x1d1: {  	[spmem:s15], [sflag:s21] =	dma.local [hbm:s11], $0x10  }
0x1d2: {  	s5 =	sadd.s32 $0x600, s1;
	s11 =	sshrl.u32 s18, $0x3;
	s15 =	sand.u32 $0x1FFFFFF0, s13  }
0x1d3: {  	[tilespmem:s16], [sflag:$0x1] =	stream.linear.gather [hbm4b:s17+s20], $0x80, $0x38;
	[tilespmem:$0xC200] =	vst v63  }
0x1d4: {  	s18 =	sadd.s32 $0x480, s6;
	s13 =	sadd.s32 $0x680, s6;
	s16 =	sadd.s32 $0x680, s1  }
0x1d5: {  	[spmem:s11], [sflag:s21] =	dma.local [hbm:s4], $0x10  }
0x1d6: {  	s17 =	sadd.s32 s14, s15;
	s4 =	sshrl.u32 s23, $0x3;
	s11 =	sadd.s32 s14, s30  }
0x1d7: {  	[tilespmem:s19], [sflag:$0x1] =	stream.linear.gather [hbm4b:s22+s20], $0x80, $0x38;
	[tilespmem:$0xC200] =	vst v63  }
0x1d8: {  	s19 =	sand.u32 $0x1FFFFFF0, s10;
	s22 =	sadd.s32 $0x700, s1;
	s10 =	sand.u32 $0x1FFFFFF0, s7  }
0x1d9: {  	[spmem:s4], [sflag:s21] =	dma.local [hbm:s3], $0x10  }
0x1da: {  	s3 =	sshrl.u32 s29, $0x3;
	s4 =	sadd.s32 s26, s30;
	s23 =	sadd.s32 s14, s19  }
0x1db: {  	[tilespmem:s25], [sflag:$0x1] =	stream.linear.gather [hbm4b:s28+s20], $0x80, $0x38;
	[tilespmem:$0xC200] =	vst v63  }
0x1dc: {  	s30 =	sadd.s32 $0x580, s6;
	s25 =	sand.u32 $0x1FFFFFF0, s9;
	s28 =	sadd.s32 $0x780, s1  }
0x1dd: {  	[spmem:s3], [sflag:s21] =	dma.local [hbm:s31], $0x10  }
0x1de: {  	s9 =	sadd.s32 $0x600, s6;
	s3 =	sshrl.u32 s12, $0x3;
	s29 =	sadd.s32 s14, s25  }
0x1df: {  	[tilespmem:s5], [sflag:$0x1] =	stream.linear.gather [hbm4b:s11+s20], $0x80, $0x38;
	[tilespmem:$0xC200] =	vst v63  }
0x1e0: {  	s31 =	sand.u32 $0x1FFFFFF0, s8;
	s12 =	sadd.s32 s14, s10;
	s5 =	sadd.s32 s26, s15  }
0x1e1: {  	s8 =	sadd.s32 s14, s31;
	s11 =	sadd.s32 $0x880, s1;
	s15 =	sadd.s32 s26, s10  }
0x1e2: {  	[spmem:s3], [sflag:s21] =	dma.local [hbm:s4], $0x10  }
0x1e3: {  	s3 =	sshrl.u32 s18, $0x3;
	s4 =	sadd.s32 s26, s19;
	s18 =	sadd.s32 $0x700, s6  }
0x1e4: {  	[tilespmem:s16], [sflag:$0x1] =	stream.linear.gather [hbm4b:s17+s20], $0x80, $0x38;
	[tilespmem:$0xC200] =	vst v63  }
0x1e5: {  	[spmem:s3], [sflag:s21] =	dma.local [hbm:s5], $0x10  }
0x1e6: {  	s19 =	sadd.s32 s14, s0;
	s16 =	sadd.s32 $0x900, s1;
	s3 =	sshrl.u32 s24, $0x3  }
0x1e7: {  	[tilespmem:s22], [sflag:$0x1] =	stream.linear.gather [hbm4b:s23+s20], $0x80, $0x38;
	[tilespmem:$0xC200] =	vst v63  }
0x1e8: {  	[spmem:s3], [sflag:s21] =	dma.local [hbm:s4], $0x10  }
0x1e9: {  	s17 =	sadd.s32 s14, s2;
	s5 =	sadd.s32 s26, s25;
	s3 =	sshrl.u32 s30, $0x3  }
0x1ea: {  	[tilespmem:s28], [sflag:$0x1] =	stream.linear.gather [hbm4b:s29+s20], $0x80, $0x38;
	[tilespmem:$0xC200] =	vst v63  }
0x1eb: {  	[spmem:s3], [sflag:s21] =	dma.local [hbm:s5], $0x10  }
0x1ec: {  	s4 =	sadd.s32 s26, s31;
	s5 =	sadd.s32 $0x800, s1;
	s3 =	sshrl.u32 s9, $0x3  }
0x1ed: {  	[tilespmem:s5], [sflag:$0x1] =	stream.linear.gather [hbm4b:s8+s20], $0x80, $0x38;
	[tilespmem:$0xC200] =	vst v63  }
0x1ee: {  	[spmem:s3], [sflag:s21] =	dma.local [hbm:s4], $0x10  }
0x1ef: {  	s2 =	sadd.s32 s26, s2;
	s1 =	sadd.s32 $0x980, s1;
	s3 =	sshrl.u32 s13, $0x3  }
0x1f0: {  	[tilespmem:s11], [sflag:$0x1] =	stream.linear.gather [hbm4b:s12+s20], $0x80, $0x38;
	[tilespmem:$0xC200] =	vst v63  }
0x1f1: {  	[spmem:s3], [sflag:s21] =	dma.local [hbm:s15], $0x10  }
0x1f2: {  	[tilespmem:s16], [sflag:$0x1] =	stream.linear.gather [hbm4b:s17+s20], $0x80, $0x38;
	[tilespmem:$0xC200] =	vst v63  }
0x1f3: {  	s4 =	simm.s32 $0x0;
	s3 =	sshrl.u32 s18, $0x3;
	s20 =	sadd.s32 $0x780, s6  }
0x1f4: {  	[spmem:s3], [sflag:s21] =	dma.local [hbm:s2], $0x10  }
0x1f5: {  	[tilespmem:s1], [sflag:$0x1] =	stream.linear.gather [hbm4b:s19+s4], $0x80, $0x38;
	[tilespmem:$0xC200] =	vst v63  }
0x1f6: {  	s0 =	sadd.s32 s26, s0;
	s1 =	sshrl.u32 s20, $0x3  }
0x1f7: {  	[spmem:s1], [sflag:s21] =	dma.local [hbm:s0], $0x10  }
0x1f8: {  	s21 =	simm.s32 $0x1  }
0x1f9: {  	_ =	swait.ge [sflag:s21], $0x8000  }
0x1fa: {  	[sflag:s21] =	ssyncset.done $0x0  }
0x1fb: {  	s22 =	simm.s32 $0x2;
	[sflag:s21] =	ssyncadd.s32 $0xFFFF8000  }
0x1fc: {  	_ =	swait.ge [sflag:s22], $0x1000  }
0x1fd: {  	s23 =	sld [smem:$0x7FA]  }
0x1fe: {  	[sflag:s22] =	ssyncset.done $0x0  }
0x1ff: {  	s24 =	simm.s32 $0x200;
	s1 =	simm.s32 $0x3;
	[sflag:s22] =	ssyncadd.s32 $0xFFFFF000  }
0x200: {  	[hbm4b:s23+s4] =	stream.linear.scatter [tilespmem:s24], [sflag:$0x3], $0x8000, $0x38;
	[tilespmem:$0xC200] =	vst v63  }
0x201: {  	_ =	swait.ge [sflag:s1], $0x8000  }
0x202: {  	s25 =	sld [smem:$0x7FB]  }
0x203: {  	s28 =	sld [smem:$0x7D8]  }
0x204: {  	s29 =	sld [smem:$0x7D9]  }
0x205: {  	[sflag:s1] =	ssyncset.done $0x0  }
0x206: {  	[sflag:s1] =	ssyncadd.s32 $0xFFFF8000  }
0x207: {  	[hbm:s25], [sflag:s28] =	dma.local [spmem:s29], $0x1000  }
0x208: {  	_ =	swait.ge [sflag:s1], $0x1000  }
0x209: {  	s30 =	sld [smem:$0x7F5]  }
0x20a: {  	s31 =	sld [smem:$0x7FC];
	_ =	sdelay $0x1  }
0x20b: {  	s2 =	sadd.s32 $0x1, s30  }
0x20c: {  	p0 =	sne.s32 s2, s31  }
.Ltmp2:
0x20d: {  	_ = 	snop;
	(pc) =	sbr.rel @p0 .LBB2_1-.Ltmp2, $3  }
0x20e: {  	_ =	sdelay $0x1  }
0x20f: {  	[sflag:s1] =	ssyncset.done $0x0  }
0x210: {  	[sflag:s1] =	ssyncadd.s32 $0xFFFFF000  }
0x211: {  	_ =	sfence.sel $0x180000  }
0x212: {  	[bflag:$0x0] =	sbarrier.arrive $0xFFFF  }
0x213: {  	_ =	strace $0x90000047  }
0x214: {  	s0 =	stileid.u32;
	[bflag:$0x2] =	sbarrier.arrive $0xFFFF  }
0x215: {  	p0 =	sne.s32 s0, $0x0;
	s0 =	rddreg [dreg:$0x3]  }
0x216: {  	s0 =	sadd.s32 @!p0 $0x100000, s0  }
0x217: {  	[sflag:s0] =	ssyncadd.tile.s32 @!p0 $0x1;
	_ =	shalt  }
.Lfunc_end2:
_tile_overlayer_lowered:
.L_overlay_start_2:
0x218: {  	(tag) =	ssettag $0x2  }
0x219: {  	s0 =	rddreg [dreg:$0x0];
	s2 =	stileid.u32  }
0x21a: {  	s1 =	rddreg [dreg:$0x1];
	p0 =	sne.s32 s2, $0x0  }
0x21b: {  	s3 =	rddreg [dreg:$0x2];
	[bflag:$0x3] =	sbarrier.arrive $0xFFFF;
	s2 =	simm.s32 @!p0 $0x1C03  }
0x21c: {  	[timem:s3], [sflag:s2] =	dma.local @!p0 [hbm:s0], s1  }
0x21d: {  	s0 =	simm.s32 @!p0 $0x3  }
0x21e: {  	_ =	swait.ge @!p0 [sflag:s0], s1  }
0x21f: {  	s1 =	ssub.s32 @!p0 $0x0, s1;
	[sflag:s0] =	ssyncset.done @!p0 $0x0  }
0x220: {  	[sflag:s0] =	ssyncadd.s32 @!p0 s1  }
0x221: {  	[bflag:$0x3] =	sbarrier.arrive $0xFFFF  }
0x222: {  	_ =	shalt  }

</sc_bundles>
